<compile_context>
chip_gen: v7x
topology: tpu7x:2x2x1
jax: 0.10.2.dev20260603
libtpu: 0.0.44.dev20260713+nightly
codegen_flags: <defaults>
</compile_context>

<pallas_src>
import functools

import jax
import jax.numpy as jnp
from jax import lax
from jax.experimental import pallas as pl
from jax.experimental.pallas import tpu as pltpu
from jax.experimental.pallas import tpu_sc as plsc

DIM = 32
BATCH = 16384
_NC, _NS = 2, 16
NW = _NC * _NS
B_PER_W = BATCH // NW
LANES = 16
NSEM = 8

_mesh = plsc.VectorSubcoreMesh(core_axis_name="c", subcore_axis_name="s")


@functools.partial(
    pl.kernel,
    mesh=_mesh,
    out_type=jax.ShapeDtypeStruct((BATCH, DIM), jnp.float32),
    scratch_types=[
        pltpu.VMEM((B_PER_W,), jnp.int32),
        pltpu.VMEM((B_PER_W, DIM), jnp.float32),
    ] + [pltpu.SemaphoreType.DMA] * NSEM,
)
def _gather(idx_hbm, table_hbm, out_hbm, idx_v, rows_v, *sems):
    wid = lax.axis_index("s") * _NC + lax.axis_index("c")
    base = wid * B_PER_W
    pltpu.sync_copy(idx_hbm.at[pl.ds(base, B_PER_W)], idx_v)

    def body(g, carry):
        vec = idx_v[pl.ds(g * LANES, LANES)]
        for j in range(LANES):
            pltpu.async_copy(
                table_hbm.at[pl.ds(vec[j], 1)],
                rows_v.at[pl.ds(g * LANES + j, 1)],
                sems[j % NSEM],
            )
        return carry

    lax.fori_loop(0, B_PER_W // LANES, body, 0, unroll=2)
    rows_per_sem = B_PER_W // NSEM
    for k in range(NSEM):
        pltpu.make_async_copy(
            table_hbm.at[pl.ds(0, rows_per_sem)],
            rows_v.at[pl.ds(0, rows_per_sem)],
            sems[k],
        ).wait()
    pltpu.sync_copy(rows_v, out_hbm.at[pl.ds(base, B_PER_W)])


def kernel(instance_ids, embedding_instance_weight):
    return _gather(instance_ids.astype(jnp.int32), embedding_instance_weight)

# --- scband reference (transcript-rebuilt; emitter-appended) ---
"""Pipeline reference for scband-code-library-vanilla-11269994185182 (READ-ONLY COPY).

The authoritative reference and input builder live on the scoring server;
editing this copy changes nothing except your own understanding.
"""

import jax, jax.numpy as jnp
import numpy as np
import math

N_MAX_OBJS = 1000000
N_OBJ_CODE_LENGTH = 32
BATCH = 16384

def setup_inputs(seed: int = 0) -> dict:
    key = jax.random.key(seed)
    k_idx, k_tab = jax.random.split(key)
    instance_ids = jax.random.randint(k_idx, (BATCH,), 0, N_MAX_OBJS, dtype=jnp.int64 if jax.config.jax_enable_x64 else jnp.int32)
    # Embedding table initialized as normal(0, 1/sqrt(code_length)), matching torch.nn.init.normal_
    embedding_instance_weight = jax.random.normal(k_tab, (N_MAX_OBJS, N_OBJ_CODE_LENGTH), dtype=jnp.float32) * (1.0 / math.sqrt(N_OBJ_CODE_LENGTH))
    return {"instance_ids": instance_ids, "embedding_instance_weight": embedding_instance_weight}

def reference(instance_ids, embedding_instance_weight):
    # Faithful translation of CodeLibraryVanilla.forward:
    # ret_dict['embedding_instance'] = self.embedding_instance(instance_ids)
    embedding_instance = jnp.take(embedding_instance_weight, instance_ids, axis=0)
    return embedding_instance

if __name__ == "__main__":
    import jax
    _d = setup_inputs()
    print(jax.jit(kernel)(*tuple(_d.values())))

</pallas_src>

<mosaic_0001>
#map = affine_map<(d0, d1) -> (0)>
#map1 = affine_map<(d0, d1) -> (0, 0)>
module attributes {stable_mosaic.version = 14 : i64} {
  func.func @_gather(%arg0: i32, %arg1: i32, %arg2: memref<16384xi32, #tpu.memory_space<hbm>>, %arg3: memref<1000000x32xf32, #tpu.memory_space<hbm>>, %arg4: memref<16384x32xf32, #tpu.memory_space<hbm>>, %arg5: memref<512xi32, #tpu.memory_space<vmem>>, %arg6: memref<512x32xf32, #tpu.memory_space<vmem>>, %arg7: memref<!tpu.dma_semaphore, #tpu.memory_space<semaphore_mem>>, %arg8: memref<!tpu.dma_semaphore, #tpu.memory_space<semaphore_mem>>, %arg9: memref<!tpu.dma_semaphore, #tpu.memory_space<semaphore_mem>>, %arg10: memref<!tpu.dma_semaphore, #tpu.memory_space<semaphore_mem>>, %arg11: memref<!tpu.dma_semaphore, #tpu.memory_space<semaphore_mem>>, %arg12: memref<!tpu.dma_semaphore, #tpu.memory_space<semaphore_mem>>, %arg13: memref<!tpu.dma_semaphore, #tpu.memory_space<semaphore_mem>>, %arg14: memref<!tpu.dma_semaphore, #tpu.memory_space<semaphore_mem>>) attributes {dimension_semantics = [#tpu.dimension_semantics<core_parallel>, #tpu.dimension_semantics<subcore_parallel>], iteration_bounds = array<i64: 2, 16>, scalar_prefetch = 0 : i64, scratch_operands = 10 : i64, tpu.core_type = #tpu.core_type<sc_vector_subcore>, window_params = [{transform_indices = #map}, {transform_indices = #map1}, {transform_indices = #map1}]} {
    %mul3A = arith.constant 2 : i32
    %mul3A_0 = arith.muli %arg1, %mul3A : i32
    %add3A = arith.addi %mul3A_0, %arg0 : i32
    %mul3A_1 = arith.constant 512 : i32
    %mul3A_2 = arith.muli %add3A, %mul3A_1 : i32
    "tpu.region"() ({
      %run_scoped3A = tpu.sem_alloc : memref<!tpu.dma_semaphore, #tpu.memory_space<semaphore_mem>>
      %dma_start3A = tpu.memref_slice %arg2[%mul3A_2] : memref<16384xi32, #tpu.memory_space<hbm>> -> memref<512xi32, #tpu.memory_space<hbm>>
      %dma_start3A_103 = tpu.memref_slice %arg2[%mul3A_2] : memref<16384xi32, #tpu.memory_space<hbm>> -> memref<512xi32, #tpu.memory_space<hbm>>
      tpu.enqueue_dma source(%dma_start3A_103 : memref<512xi32, #tpu.memory_space<hbm>>) target(%arg5 : memref<512xi32, #tpu.memory_space<vmem>>) target_semaphore(%run_scoped3A : memref<!tpu.dma_semaphore, #tpu.memory_space<semaphore_mem>>)
      %dma_wait3A_104 = tpu.memref_slice %arg2[%mul3A_2] : memref<16384xi32, #tpu.memory_space<hbm>> -> memref<512xi32, #tpu.memory_space<hbm>>
      %dma_wait3A_105 = tpu.memref_slice %arg2[%mul3A_2] : memref<16384xi32, #tpu.memory_space<hbm>> -> memref<512xi32, #tpu.memory_space<hbm>>
      tpu.wait_dma2 semaphore(%run_scoped3A : memref<!tpu.dma_semaphore, #tpu.memory_space<semaphore_mem>>) src(%dma_wait3A_105 : memref<512xi32, #tpu.memory_space<hbm>>) dst(%arg5 : memref<512xi32, #tpu.memory_space<vmem>>)
      tpu.yield
    }) : () -> ()
    %scan3A = arith.constant 0 : i32
    %scan3A_3 = arith.constant 0 : i32
    %scan3A_4 = arith.constant 32 : i32
    %scan3A_5 = arith.addi %scan3A_3, %scan3A_4 : i32
    %scan3A_6 = arith.constant 2 : i32
    scf.for %scan3A_103 = %scan3A_3 to %scan3A_5 step %scan3A_6  : i32 {
      %mul3A_104 = arith.constant 16 : i32
      %mul3A_105 = arith.muli %scan3A_103, %mul3A_104 : i32
      %get3A = arith.index_cast %mul3A_105 : i32 to index
      %get3A_106 = tpu.vector_load %arg5[%get3A] {strides = array<i32>} : memref<512xi32, #tpu.memory_space<vmem>>, vector<16xi32>,
      %get3A_107 = vector.shape_cast %get3A_106 : vector<16xi32> to vector<16xi32>
      %slice3A = vector.extract_strided_slice %get3A_107 {offsets = [0], sizes = [1], strides = [1]} : vector<16xi32> to vector<1xi32>
      %squeeze3A = vector.extract %slice3A[0] : i32 from vector<1xi32>
      %mul3A_108 = arith.constant 16 : i32
      %mul3A_109 = arith.muli %scan3A_103, %mul3A_108 : i32
      %add3A_110 = arith.constant 0 : i32
      %add3A_111 = arith.addi %mul3A_109, %add3A_110 : i32
      %dma_start3A = arith.constant 0 : i32
      %dma_start3A_112 = tpu.memref_slice %arg6[%add3A_111, %dma_start3A] : memref<512x32xf32, #tpu.memory_space<vmem>> -> memref<1x32xf32, #tpu.memory_space<vmem>>
      %dma_start3A_113 = arith.constant 0 : i32
      %dma_start3A_114 = tpu.memref_slice %arg3[%squeeze3A, %dma_start3A_113] : memref<1000000x32xf32, #tpu.memory_space<hbm>> -> memref<1x32xf32, #tpu.memory_space<hbm>>
      %dma_start3A_115 = arith.constant 0 : i32
      %dma_start3A_116 = tpu.memref_slice %arg6[%add3A_111, %dma_start3A_115] : memref<512x32xf32, #tpu.memory_space<vmem>> -> memref<1x32xf32, #tpu.memory_space<vmem>>
      %dma_start3A_117 = arith.constant 0 : i32
      %dma_start3A_118 = tpu.memref_slice %arg3[%squeeze3A, %dma_start3A_117] : memref<1000000x32xf32, #tpu.memory_space<hbm>> -> memref<1x32xf32, #tpu.memory_space<hbm>>
      tpu.enqueue_dma source(%dma_start3A_118 : memref<1x32xf32, #tpu.memory_space<hbm>>) target(%dma_start3A_116 : memref<1x32xf32, #tpu.memory_space<vmem>>) target_semaphore(%arg7 : memref<!tpu.dma_semaphore, #tpu.memory_space<semaphore_mem>>)
      %slice3A_119 = vector.extract_strided_slice %get3A_107 {offsets = [1], sizes = [1], strides = [1]} : vector<16xi32> to vector<1xi32>
      %squeeze3A_120 = vector.extract %slice3A_119[0] : i32 from vector<1xi32>
      %mul3A_121 = arith.constant 16 : i32
      %mul3A_122 = arith.muli %scan3A_103, %mul3A_121 : i32
      %add3A_123 = arith.constant 1 : i32
      %add3A_124 = arith.addi %mul3A_122, %add3A_123 : i32
      %dma_start3A_125 = arith.constant 0 : i32
      %dma_start3A_126 = tpu.memref_slice %arg6[%add3A_124, %dma_start3A_125] : memref<512x32xf32, #tpu.memory_space<vmem>> -> memref<1x32xf32, #tpu.memory_space<vmem>>
      %dma_start3A_127 = arith.constant 0 : i32
      %dma_start3A_128 = tpu.memref_slice %arg3[%squeeze3A_120, %dma_start3A_127] : memref<1000000x32xf32, #tpu.memory_space<hbm>> -> memref<1x32xf32, #tpu.memory_space<hbm>>
      %dma_start3A_129 = arith.constant 0 : i32
      %dma_start3A_130 = tpu.memref_slice %arg6[%add3A_124, %dma_start3A_129] : memref<512x32xf32, #tpu.memory_space<vmem>> -> memref<1x32xf32, #tpu.memory_space<vmem>>
      %dma_start3A_131 = arith.constant 0 : i32
      %dma_start3A_132 = tpu.memref_slice %arg3[%squeeze3A_120, %dma_start3A_131] : memref<1000000x32xf32, #tpu.memory_space<hbm>> -> memref<1x32xf32, #tpu.memory_space<hbm>>
      tpu.enqueue_dma source(%dma_start3A_132 : memref<1x32xf32, #tpu.memory_space<hbm>>) target(%dma_start3A_130 : memref<1x32xf32, #tpu.memory_space<vmem>>) target_semaphore(%arg8 : memref<!tpu.dma_semaphore, #tpu.memory_space<semaphore_mem>>)
      %slice3A_133 = vector.extract_strided_slice %get3A_107 {offsets = [2], sizes = [1], strides = [1]} : vector<16xi32> to vector<1xi32>
      %squeeze3A_134 = vector.extract %slice3A_133[0] : i32 from vector<1xi32>
      %mul3A_135 = arith.constant 16 : i32
      %mul3A_136 = arith.muli %scan3A_103, %mul3A_135 : i32
      %add3A_137 = arith.constant 2 : i32
      %add3A_138 = arith.addi %mul3A_136, %add3A_137 : i32
      %dma_start3A_139 = arith.constant 0 : i32
      %dma_start3A_140 = tpu.memref_slice %arg6[%add3A_138, %dma_start3A_139] : memref<512x32xf32, #tpu.memory_space<vmem>> -> memref<1x32xf32, #tpu.memory_space<vmem>>
      %dma_start3A_141 = arith.constant 0 : i32
      %dma_start3A_142 = tpu.memref_slice %arg3[%squeeze3A_134, %dma_start3A_141] : memref<1000000x32xf32, #tpu.memory_space<hbm>> -> memref<1x32xf32, #tpu.memory_space<hbm>>
      %dma_start3A_143 = arith.constant 0 : i32
      %dma_start3A_144 = tpu.memref_slice %arg6[%add3A_138, %dma_start3A_143] : memref<512x32xf32, #tpu.memory_space<vmem>> -> memref<1x32xf32, #tpu.memory_space<vmem>>
      %dma_start3A_145 = arith.constant 0 : i32
      %dma_start3A_146 = tpu.memref_slice %arg3[%squeeze3A_134, %dma_start3A_145] : memref<1000000x32xf32, #tpu.memory_space<hbm>> -> memref<1x32xf32, #tpu.memory_space<hbm>>
      tpu.enqueue_dma source(%dma_start3A_146 : memref<1x32xf32, #tpu.memory_space<hbm>>) target(%dma_start3A_144 : memref<1x32xf32, #tpu.memory_space<vmem>>) target_semaphore(%arg9 : memref<!tpu.dma_semaphore, #tpu.memory_space<semaphore_mem>>)
      %slice3A_147 = vector.extract_strided_slice %get3A_107 {offsets = [3], sizes = [1], strides = [1]} : vector<16xi32> to vector<1xi32>
      %squeeze3A_148 = vector.extract %slice3A_147[0] : i32 from vector<1xi32>
      %mul3A_149 = arith.constant 16 : i32
      %mul3A_150 = arith.muli %scan3A_103, %mul3A_149 : i32
      %add3A_151 = arith.constant 3 : i32
      %add3A_152 = arith.addi %mul3A_150, %add3A_151 : i32
      %dma_start3A_153 = arith.constant 0 : i32
      %dma_start3A_154 = tpu.memref_slice %arg6[%add3A_152, %dma_start3A_153] : memref<512x32xf32, #tpu.memory_space<vmem>> -> memref<1x32xf32, #tpu.memory_space<vmem>>
      %dma_start3A_155 = arith.constant 0 : i32
      %dma_start3A_156 = tpu.memref_slice %arg3[%squeeze3A_148, %dma_start3A_155] : memref<1000000x32xf32, #tpu.memory_space<hbm>> -> memref<1x32xf32, #tpu.memory_space<hbm>>
      %dma_start3A_157 = arith.constant 0 : i32
      %dma_start3A_158 = tpu.memref_slice %arg6[%add3A_152, %dma_start3A_157] : memref<512x32xf32, #tpu.memory_space<vmem>> -> memref<1x32xf32, #tpu.memory_space<vmem>>
      %dma_start3A_159 = arith.constant 0 : i32
      %dma_start3A_160 = tpu.memref_slice %arg3[%squeeze3A_148, %dma_start3A_159] : memref<1000000x32xf32, #tpu.memory_space<hbm>> -> memref<1x32xf32, #tpu.memory_space<hbm>>
      tpu.enqueue_dma source(%dma_start3A_160 : memref<1x32xf32, #tpu.memory_space<hbm>>) target(%dma_start3A_158 : memref<1x32xf32, #tpu.memory_space<vmem>>) target_semaphore(%arg10 : memref<!tpu.dma_semaphore, #tpu.memory_space<semaphore_mem>>)
      %slice3A_161 = vector.extract_strided_slice %get3A_107 {offsets = [4], sizes = [1], strides = [1]} : vector<16xi32> to vector<1xi32>
      %squeeze3A_162 = vector.extract %slice3A_161[0] : i32 from vector<1xi32>
      %mul3A_163 = arith.constant 16 : i32
      %mul3A_164 = arith.muli %scan3A_103, %mul3A_163 : i32
      %add3A_165 = arith.constant 4 : i32
      %add3A_166 = arith.addi %mul3A_164, %add3A_165 : i32
      %dma_start3A_167 = arith.constant 0 : i32
      %dma_start3A_168 = tpu.memref_slice %arg6[%add3A_166, %dma_start3A_167] : memref<512x32xf32, #tpu.memory_space<vmem>> -> memref<1x32xf32, #tpu.memory_space<vmem>>
      %dma_start3A_169 = arith.constant 0 : i32
      %dma_start3A_170 = tpu.memref_slice %arg3[%squeeze3A_162, %dma_start3A_169] : memref<1000000x32xf32, #tpu.memory_space<hbm>> -> memref<1x32xf32, #tpu.memory_space<hbm>>
      %dma_start3A_171 = arith.constant 0 : i32
      %dma_start3A_172 = tpu.memref_slice %arg6[%add3A_166, %dma_start3A_171] : memref<512x32xf32, #tpu.memory_space<vmem>> -> memref<1x32xf32, #tpu.memory_space<vmem>>
      %dma_start3A_173 = arith.constant 0 : i32
      %dma_start3A_174 = tpu.memref_slice %arg3[%squeeze3A_162, %dma_start3A_173] : memref<1000000x32xf32, #tpu.memory_space<hbm>> -> memref<1x32xf32, #tpu.memory_space<hbm>>
      tpu.enqueue_dma source(%dma_start3A_174 : memref<1x32xf32, #tpu.memory_space<hbm>>) target(%dma_start3A_172 : memref<1x32xf32, #tpu.memory_space<vmem>>) target_semaphore(%arg11 : memref<!tpu.dma_semaphore, #tpu.memory_space<semaphore_mem>>)
      %slice3A_175 = vector.extract_strided_slice %get3A_107 {offsets = [5], sizes = [1], strides = [1]} : vector<16xi32> to vector<1xi32>
      %squeeze3A_176 = vector.extract %slice3A_175[0] : i32 from vector<1xi32>
      %mul3A_177 = arith.constant 16 : i32
      %mul3A_178 = arith.muli %scan3A_103, %mul3A_177 : i32
      %add3A_179 = arith.constant 5 : i32
      %add3A_180 = arith.addi %mul3A_178, %add3A_179 : i32
      %dma_start3A_181 = arith.constant 0 : i32
      %dma_start3A_182 = tpu.memref_slice %arg6[%add3A_180, %dma_start3A_181] : memref<512x32xf32, #tpu.memory_space<vmem>> -> memref<1x32xf32, #tpu.memory_space<vmem>>
      %dma_start3A_183 = arith.constant 0 : i32
      %dma_start3A_184 = tpu.memref_slice %arg3[%squeeze3A_176, %dma_start3A_183] : memref<1000000x32xf32, #tpu.memory_space<hbm>> -> memref<1x32xf32, #tpu.memory_space<hbm>>
      %dma_start3A_185 = arith.constant 0 : i32
      %dma_start3A_186 = tpu.memref_slice %arg6[%add3A_180, %dma_start3A_185] : memref<512x32xf32, #tpu.memory_space<vmem>> -> memref<1x32xf32, #tpu.memory_space<vmem>>
      %dma_start3A_187 = arith.constant 0 : i32
      %dma_start3A_188 = tpu.memref_slice %arg3[%squeeze3A_176, %dma_start3A_187] : memref<1000000x32xf32, #tpu.memory_space<hbm>> -> memref<1x32xf32, #tpu.memory_space<hbm>>
      tpu.enqueue_dma source(%dma_start3A_188 : memref<1x32xf32, #tpu.memory_space<hbm>>) target(%dma_start3A_186 : memref<1x32xf32, #tpu.memory_space<vmem>>) target_semaphore(%arg12 : memref<!tpu.dma_semaphore, #tpu.memory_space<semaphore_mem>>)
      %slice3A_189 = vector.extract_strided_slice %get3A_107 {offsets = [6], sizes = [1], strides = [1]} : vector<16xi32> to vector<1xi32>
      %squeeze3A_190 = vector.extract %slice3A_189[0] : i32 from vector<1xi32>
      %mul3A_191 = arith.constant 16 : i32
      %mul3A_192 = arith.muli %scan3A_103, %mul3A_191 : i32
      %add3A_193 = arith.constant 6 : i32
      %add3A_194 = arith.addi %mul3A_192, %add3A_193 : i32
      %dma_start3A_195 = arith.constant 0 : i32
      %dma_start3A_196 = tpu.memref_slice %arg6[%add3A_194, %dma_start3A_195] : memref<512x32xf32, #tpu.memory_space<vmem>> -> memref<1x32xf32, #tpu.memory_space<vmem>>
      %dma_start3A_197 = arith.constant 0 : i32
      %dma_start3A_198 = tpu.memref_slice %arg3[%squeeze3A_190, %dma_start3A_197] : memref<1000000x32xf32, #tpu.memory_space<hbm>> -> memref<1x32xf32, #tpu.memory_space<hbm>>
      %dma_start3A_199 = arith.constant 0 : i32
      %dma_start3A_200 = tpu.memref_slice %arg6[%add3A_194, %dma_start3A_199] : memref<512x32xf32, #tpu.memory_space<vmem>> -> memref<1x32xf32, #tpu.memory_space<vmem>>
      %dma_start3A_201 = arith.constant 0 : i32
      %dma_start3A_202 = tpu.memref_slice %arg3[%squeeze3A_190, %dma_start3A_201] : memref<1000000x32xf32, #tpu.memory_space<hbm>> -> memref<1x32xf32, #tpu.memory_space<hbm>>
      tpu.enqueue_dma source(%dma_start3A_202 : memref<1x32xf32, #tpu.memory_space<hbm>>) target(%dma_start3A_200 : memref<1x32xf32, #tpu.memory_space<vmem>>) target_semaphore(%arg13 : memref<!tpu.dma_semaphore, #tpu.memory_space<semaphore_mem>>)
      %slice3A_203 = vector.extract_strided_slice %get3A_107 {offsets = [7], sizes = [1], strides = [1]} : vector<16xi32> to vector<1xi32>
      %squeeze3A_204 = vector.extract %slice3A_203[0] : i32 from vector<1xi32>
      %mul3A_205 = arith.constant 16 : i32
      %mul3A_206 = arith.muli %scan3A_103, %mul3A_205 : i32
      %add3A_207 = arith.constant 7 : i32
      %add3A_208 = arith.addi %mul3A_206, %add3A_207 : i32
      %dma_start3A_209 = arith.constant 0 : i32
      %dma_start3A_210 = tpu.memref_slice %arg6[%add3A_208, %dma_start3A_209] : memref<512x32xf32, #tpu.memory_space<vmem>> -> memref<1x32xf32, #tpu.memory_space<vmem>>
      %dma_start3A_211 = arith.constant 0 : i32
      %dma_start3A_212 = tpu.memref_slice %arg3[%squeeze3A_204, %dma_start3A_211] : memref<1000000x32xf32, #tpu.memory_space<hbm>> -> memref<1x32xf32, #tpu.memory_space<hbm>>
      %dma_start3A_213 = arith.constant 0 : i32
      %dma_start3A_214 = tpu.memref_slice %arg6[%add3A_208, %dma_start3A_213] : memref<512x32xf32, #tpu.memory_space<vmem>> -> memref<1x32xf32, #tpu.memory_space<vmem>>
      %dma_start3A_215 = arith.constant 0 : i32
      %dma_start3A_216 = tpu.memref_slice %arg3[%squeeze3A_204, %dma_start3A_215] : memref<1000000x32xf32, #tpu.memory_space<hbm>> -> memref<1x32xf32, #tpu.memory_space<hbm>>
      tpu.enqueue_dma source(%dma_start3A_216 : memref<1x32xf32, #tpu.memory_space<hbm>>) target(%dma_start3A_214 : memref<1x32xf32, #tpu.memory_space<vmem>>) target_semaphore(%arg14 : memref<!tpu.dma_semaphore, #tpu.memory_space<semaphore_mem>>)
      %slice3A_217 = vector.extract_strided_slice %get3A_107 {offsets = [8], sizes = [1], strides = [1]} : vector<16xi32> to vector<1xi32>
      %squeeze3A_218 = vector.extract %slice3A_217[0] : i32 from vector<1xi32>
      %mul3A_219 = arith.constant 16 : i32
      %mul3A_220 = arith.muli %scan3A_103, %mul3A_219 : i32
      %add3A_221 = arith.constant 8 : i32
      %add3A_222 = arith.addi %mul3A_220, %add3A_221 : i32
      %dma_start3A_223 = arith.constant 0 : i32
      %dma_start3A_224 = tpu.memref_slice %arg6[%add3A_222, %dma_start3A_223] : memref<512x32xf32, #tpu.memory_space<vmem>> -> memref<1x32xf32, #tpu.memory_space<vmem>>
      %dma_start3A_225 = arith.constant 0 : i32
      %dma_start3A_226 = tpu.memref_slice %arg3[%squeeze3A_218, %dma_start3A_225] : memref<1000000x32xf32, #tpu.memory_space<hbm>> -> memref<1x32xf32, #tpu.memory_space<hbm>>
      %dma_start3A_227 = arith.constant 0 : i32
      %dma_start3A_228 = tpu.memref_slice %arg6[%add3A_222, %dma_start3A_227] : memref<512x32xf32, #tpu.memory_space<vmem>> -> memref<1x32xf32, #tpu.memory_space<vmem>>
      %dma_start3A_229 = arith.constant 0 : i32
      %dma_start3A_230 = tpu.memref_slice %arg3[%squeeze3A_218, %dma_start3A_229] : memref<1000000x32xf32, #tpu.memory_space<hbm>> -> memref<1x32xf32, #tpu.memory_space<hbm>>
      tpu.enqueue_dma source(%dma_start3A_230 : memref<1x32xf32, #tpu.memory_space<hbm>>) target(%dma_start3A_228 : memref<1x32xf32, #tpu.memory_space<vmem>>) target_semaphore(%arg7 : memref<!tpu.dma_semaphore, #tpu.memory_space<semaphore_mem>>)
      %slice3A_231 = vector.extract_strided_slice %get3A_107 {offsets = [9], sizes = [1], strides = [1]} : vector<16xi32> to vector<1xi32>
      %squeeze3A_232 = vector.extract %slice3A_231[0] : i32 from vector<1xi32>
      %mul3A_233 = arith.constant 16 : i32
      %mul3A_234 = arith.muli %scan3A_103, %mul3A_233 : i32
      %add3A_235 = arith.constant 9 : i32
      %add3A_236 = arith.addi %mul3A_234, %add3A_235 : i32
      %dma_start3A_237 = arith.constant 0 : i32
      %dma_start3A_238 = tpu.memref_slice %arg6[%add3A_236, %dma_start3A_237] : memref<512x32xf32, #tpu.memory_space<vmem>> -> memref<1x32xf32, #tpu.memory_space<vmem>>
      %dma_start3A_239 = arith.constant 0 : i32
      %dma_start3A_240 = tpu.memref_slice %arg3[%squeeze3A_232, %dma_start3A_239] : memref<1000000x32xf32, #tpu.memory_space<hbm>> -> memref<1x32xf32, #tpu.memory_space<hbm>>
      %dma_start3A_241 = arith.constant 0 : i32
      %dma_start3A_242 = tpu.memref_slice %arg6[%add3A_236, %dma_start3A_241] : memref<512x32xf32, #tpu.memory_space<vmem>> -> memref<1x32xf32, #tpu.memory_space<vmem>>
      %dma_start3A_243 = arith.constant 0 : i32
      %dma_start3A_244 = tpu.memref_slice %arg3[%squeeze3A_232, %dma_start3A_243] : memref<1000000x32xf32, #tpu.memory_space<hbm>> -> memref<1x32xf32, #tpu.memory_space<hbm>>
      tpu.enqueue_dma source(%dma_start3A_244 : memref<1x32xf32, #tpu.memory_space<hbm>>) target(%dma_start3A_242 : memref<1x32xf32, #tpu.memory_space<vmem>>) target_semaphore(%arg8 : memref<!tpu.dma_semaphore, #tpu.memory_space<semaphore_mem>>)
      %slice3A_245 = vector.extract_strided_slice %get3A_107 {offsets = [10], sizes = [1], strides = [1]} : vector<16xi32> to vector<1xi32>
      %squeeze3A_246 = vector.extract %slice3A_245[0] : i32 from vector<1xi32>
      %mul3A_247 = arith.constant 16 : i32
      %mul3A_248 = arith.muli %scan3A_103, %mul3A_247 : i32
      %add3A_249 = arith.constant 10 : i32
      %add3A_250 = arith.addi %mul3A_248, %add3A_249 : i32
      %dma_start3A_251 = arith.constant 0 : i32
      %dma_start3A_252 = tpu.memref_slice %arg6[%add3A_250, %dma_start3A_251] : memref<512x32xf32, #tpu.memory_space<vmem>> -> memref<1x32xf32, #tpu.memory_space<vmem>>
      %dma_start3A_253 = arith.constant 0 : i32
      %dma_start3A_254 = tpu.memref_slice %arg3[%squeeze3A_246, %dma_start3A_253] : memref<1000000x32xf32, #tpu.memory_space<hbm>> -> memref<1x32xf32, #tpu.memory_space<hbm>>
      %dma_start3A_255 = arith.constant 0 : i32
      %dma_start3A_256 = tpu.memref_slice %arg6[%add3A_250, %dma_start3A_255] : memref<512x32xf32, #tpu.memory_space<vmem>> -> memref<1x32xf32, #tpu.memory_space<vmem>>
      %dma_start3A_257 = arith.constant 0 : i32
      %dma_start3A_258 = tpu.memref_slice %arg3[%squeeze3A_246, %dma_start3A_257] : memref<1000000x32xf32, #tpu.memory_space<hbm>> -> memref<1x32xf32, #tpu.memory_space<hbm>>
      tpu.enqueue_dma source(%dma_start3A_258 : memref<1x32xf32, #tpu.memory_space<hbm>>) target(%dma_start3A_256 : memref<1x32xf32, #tpu.memory_space<vmem>>) target_semaphore(%arg9 : memref<!tpu.dma_semaphore, #tpu.memory_space<semaphore_mem>>)
      %slice3A_259 = vector.extract_strided_slice %get3A_107 {offsets = [11], sizes = [1], strides = [1]} : vector<16xi32> to vector<1xi32>
      %squeeze3A_260 = vector.extract %slice3A_259[0] : i32 from vector<1xi32>
      %mul3A_261 = arith.constant 16 : i32
      %mul3A_262 = arith.muli %scan3A_103, %mul3A_261 : i32
      %add3A_263 = arith.constant 11 : i32
      %add3A_264 = arith.addi %mul3A_262, %add3A_263 : i32
      %dma_start3A_265 = arith.constant 0 : i32
      %dma_start3A_266 = tpu.memref_slice %arg6[%add3A_264, %dma_start3A_265] : memref<512x32xf32, #tpu.memory_space<vmem>> -> memref<1x32xf32, #tpu.memory_space<vmem>>
      %dma_start3A_267 = arith.constant 0 : i32
      %dma_start3A_268 = tpu.memref_slice %arg3[%squeeze3A_260, %dma_start3A_267] : memref<1000000x32xf32, #tpu.memory_space<hbm>> -> memref<1x32xf32, #tpu.memory_space<hbm>>
      %dma_start3A_269 = arith.constant 0 : i32
      %dma_start3A_270 = tpu.memref_slice %arg6[%add3A_264, %dma_start3A_269] : memref<512x32xf32, #tpu.memory_space<vmem>> -> memref<1x32xf32, #tpu.memory_space<vmem>>
      %dma_start3A_271 = arith.constant 0 : i32
      %dma_start3A_272 = tpu.memref_slice %arg3[%squeeze3A_260, %dma_start3A_271] : memref<1000000x32xf32, #tpu.memory_space<hbm>> -> memref<1x32xf32, #tpu.memory_space<hbm>>
      tpu.enqueue_dma source(%dma_start3A_272 : memref<1x32xf32, #tpu.memory_space<hbm>>) target(%dma_start3A_270 : memref<1x32xf32, #tpu.memory_space<vmem>>) target_semaphore(%arg10 : memref<!tpu.dma_semaphore, #tpu.memory_space<semaphore_mem>>)
      %slice3A_273 = vector.extract_strided_slice %get3A_107 {offsets = [12], sizes = [1], strides = [1]} : vector<16xi32> to vector<1xi32>
      %squeeze3A_274 = vector.extract %slice3A_273[0] : i32 from vector<1xi32>
      %mul3A_275 = arith.constant 16 : i32
      %mul3A_276 = arith.muli %scan3A_103, %mul3A_275 : i32
      %add3A_277 = arith.constant 12 : i32
      %add3A_278 = arith.addi %mul3A_276, %add3A_277 : i32
      %dma_start3A_279 = arith.constant 0 : i32
      %dma_start3A_280 = tpu.memref_slice %arg6[%add3A_278, %dma_start3A_279] : memref<512x32xf32, #tpu.memory_space<vmem>> -> memref<1x32xf32, #tpu.memory_space<vmem>>
      %dma_start3A_281 = arith.constant 0 : i32
      %dma_start3A_282 = tpu.memref_slice %arg3[%squeeze3A_274, %dma_start3A_281] : memref<1000000x32xf32, #tpu.memory_space<hbm>> -> memref<1x32xf32, #tpu.memory_space<hbm>>
      %dma_start3A_283 = arith.constant 0 : i32
      %dma_start3A_284 = tpu.memref_slice %arg6[%add3A_278, %dma_start3A_283] : memref<512x32xf32, #tpu.memory_space<vmem>> -> memref<1x32xf32, #tpu.memory_space<vmem>>
      %dma_start3A_285 = arith.constant 0 : i32
      %dma_start3A_286 = tpu.memref_slice %arg3[%squeeze3A_274, %dma_start3A_285] : memref<1000000x32xf32, #tpu.memory_space<hbm>> -> memref<1x32xf32, #tpu.memory_space<hbm>>
      tpu.enqueue_dma source(%dma_start3A_286 : memref<1x32xf32, #tpu.memory_space<hbm>>) target(%dma_start3A_284 : memref<1x32xf32, #tpu.memory_space<vmem>>) target_semaphore(%arg11 : memref<!tpu.dma_semaphore, #tpu.memory_space<semaphore_mem>>)
      %slice3A_287 = vector.extract_strided_slice %get3A_107 {offsets = [13], sizes = [1], strides = [1]} : vector<16xi32> to vector<1xi32>
      %squeeze3A_288 = vector.extract %slice3A_287[0] : i32 from vector<1xi32>
      %mul3A_289 = arith.constant 16 : i32
      %mul3A_290 = arith.muli %scan3A_103, %mul3A_289 : i32
      %add3A_291 = arith.constant 13 : i32
      %add3A_292 = arith.addi %mul3A_290, %add3A_291 : i32
      %dma_start3A_293 = arith.constant 0 : i32
      %dma_start3A_294 = tpu.memref_slice %arg6[%add3A_292, %dma_start3A_293] : memref<512x32xf32, #tpu.memory_space<vmem>> -> memref<1x32xf32, #tpu.memory_space<vmem>>
      %dma_start3A_295 = arith.constant 0 : i32
      %dma_start3A_296 = tpu.memref_slice %arg3[%squeeze3A_288, %dma_start3A_295] : memref<1000000x32xf32, #tpu.memory_space<hbm>> -> memref<1x32xf32, #tpu.memory_space<hbm>>
      %dma_start3A_297 = arith.constant 0 : i32
      %dma_start3A_298 = tpu.memref_slice %arg6[%add3A_292, %dma_start3A_297] : memref<512x32xf32, #tpu.memory_space<vmem>> -> memref<1x32xf32, #tpu.memory_space<vmem>>
      %dma_start3A_299 = arith.constant 0 : i32
      %dma_start3A_300 = tpu.memref_slice %arg3[%squeeze3A_288, %dma_start3A_299] : memref<1000000x32xf32, #tpu.memory_space<hbm>> -> memref<1x32xf32, #tpu.memory_space<hbm>>
      tpu.enqueue_dma source(%dma_start3A_300 : memref<1x32xf32, #tpu.memory_space<hbm>>) target(%dma_start3A_298 : memref<1x32xf32, #tpu.memory_space<vmem>>) target_semaphore(%arg12 : memref<!tpu.dma_semaphore, #tpu.memory_space<semaphore_mem>>)
      %slice3A_301 = vector.extract_strided_slice %get3A_107 {offsets = [14], sizes = [1], strides = [1]} : vector<16xi32> to vector<1xi32>
      %squeeze3A_302 = vector.extract %slice3A_301[0] : i32 from vector<1xi32>
      %mul3A_303 = arith.constant 16 : i32
      %mul3A_304 = arith.muli %scan3A_103, %mul3A_303 : i32
      %add3A_305 = arith.constant 14 : i32
      %add3A_306 = arith.addi %mul3A_304, %add3A_305 : i32
      %dma_start3A_307 = arith.constant 0 : i32
      %dma_start3A_308 = tpu.memref_slice %arg6[%add3A_306, %dma_start3A_307] : memref<512x32xf32, #tpu.memory_space<vmem>> -> memref<1x32xf32, #tpu.memory_space<vmem>>
      %dma_start3A_309 = arith.constant 0 : i32
      %dma_start3A_310 = tpu.memref_slice %arg3[%squeeze3A_302, %dma_start3A_309] : memref<1000000x32xf32, #tpu.memory_space<hbm>> -> memref<1x32xf32, #tpu.memory_space<hbm>>
      %dma_start3A_311 = arith.constant 0 : i32
      %dma_start3A_312 = tpu.memref_slice %arg6[%add3A_306, %dma_start3A_311] : memref<512x32xf32, #tpu.memory_space<vmem>> -> memref<1x32xf32, #tpu.memory_space<vmem>>
      %dma_start3A_313 = arith.constant 0 : i32
      %dma_start3A_314 = tpu.memref_slice %arg3[%squeeze3A_302, %dma_start3A_313] : memref<1000000x32xf32, #tpu.memory_space<hbm>> -> memref<1x32xf32, #tpu.memory_space<hbm>>
      tpu.enqueue_dma source(%dma_start3A_314 : memref<1x32xf32, #tpu.memory_space<hbm>>) target(%dma_start3A_312 : memref<1x32xf32, #tpu.memory_space<vmem>>) target_semaphore(%arg13 : memref<!tpu.dma_semaphore, #tpu.memory_space<semaphore_mem>>)
      %slice3A_315 = vector.extract_strided_slice %get3A_107 {offsets = [15], sizes = [1], strides = [1]} : vector<16xi32> to vector<1xi32>
      %squeeze3A_316 = vector.extract %slice3A_315[0] : i32 from vector<1xi32>
      %mul3A_317 = arith.constant 16 : i32
      %mul3A_318 = arith.muli %scan3A_103, %mul3A_317 : i32
      %add3A_319 = arith.constant 15 : i32
      %add3A_320 = arith.addi %mul3A_318, %add3A_319 : i32
      %dma_start3A_321 = arith.constant 0 : i32
      %dma_start3A_322 = tpu.memref_slice %arg6[%add3A_320, %dma_start3A_321] : memref<512x32xf32, #tpu.memory_space<vmem>> -> memref<1x32xf32, #tpu.memory_space<vmem>>
      %dma_start3A_323 = arith.constant 0 : i32
      %dma_start3A_324 = tpu.memref_slice %arg3[%squeeze3A_316, %dma_start3A_323] : memref<1000000x32xf32, #tpu.memory_space<hbm>> -> memref<1x32xf32, #tpu.memory_space<hbm>>
      %dma_start3A_325 = arith.constant 0 : i32
      %dma_start3A_326 = tpu.memref_slice %arg6[%add3A_320, %dma_start3A_325] : memref<512x32xf32, #tpu.memory_space<vmem>> -> memref<1x32xf32, #tpu.memory_space<vmem>>
      %dma_start3A_327 = arith.constant 0 : i32
      %dma_start3A_328 = tpu.memref_slice %arg3[%squeeze3A_316, %dma_start3A_327] : memref<1000000x32xf32, #tpu.memory_space<hbm>> -> memref<1x32xf32, #tpu.memory_space<hbm>>
      tpu.enqueue_dma source(%dma_start3A_328 : memref<1x32xf32, #tpu.memory_space<hbm>>) target(%dma_start3A_326 : memref<1x32xf32, #tpu.memory_space<vmem>>) target_semaphore(%arg14 : memref<!tpu.dma_semaphore, #tpu.memory_space<semaphore_mem>>)
      %scan3A_329 = arith.constant 1 : i32
      %scan3A_330 = arith.addi %scan3A_103, %scan3A_329 : i32
      %mul3A_331 = arith.constant 16 : i32
      %mul3A_332 = arith.muli %scan3A_330, %mul3A_331 : i32
      %get3A_333 = arith.index_cast %mul3A_332 : i32 to index
      %get3A_334 = tpu.vector_load %arg5[%get3A_333] {strides = array<i32>} : memref<512xi32, #tpu.memory_space<vmem>>, vector<16xi32>,
      %get3A_335 = vector.shape_cast %get3A_334 : vector<16xi32> to vector<16xi32>
      %slice3A_336 = vector.extract_strided_slice %get3A_335 {offsets = [0], sizes = [1], strides = [1]} : vector<16xi32> to vector<1xi32>
      %squeeze3A_337 = vector.extract %slice3A_336[0] : i32 from vector<1xi32>
      %mul3A_338 = arith.constant 16 : i32
      %mul3A_339 = arith.muli %scan3A_330, %mul3A_338 : i32
      %add3A_340 = arith.constant 0 : i32
      %add3A_341 = arith.addi %mul3A_339, %add3A_340 : i32
      %dma_start3A_342 = arith.constant 0 : i32
      %dma_start3A_343 = tpu.memref_slice %arg6[%add3A_341, %dma_start3A_342] : memref<512x32xf32, #tpu.memory_space<vmem>> -> memref<1x32xf32, #tpu.memory_space<vmem>>
      %dma_start3A_344 = arith.constant 0 : i32
      %dma_start3A_345 = tpu.memref_slice %arg3[%squeeze3A_337, %dma_start3A_344] : memref<1000000x32xf32, #tpu.memory_space<hbm>> -> memref<1x32xf32, #tpu.memory_space<hbm>>
      %dma_start3A_346 = arith.constant 0 : i32
      %dma_start3A_347 = tpu.memref_slice %arg6[%add3A_341, %dma_start3A_346] : memref<512x32xf32, #tpu.memory_space<vmem>> -> memref<1x32xf32, #tpu.memory_space<vmem>>
      %dma_start3A_348 = arith.constant 0 : i32
      %dma_start3A_349 = tpu.memref_slice %arg3[%squeeze3A_337, %dma_start3A_348] : memref<1000000x32xf32, #tpu.memory_space<hbm>> -> memref<1x32xf32, #tpu.memory_space<hbm>>
      tpu.enqueue_dma source(%dma_start3A_349 : memref<1x32xf32, #tpu.memory_space<hbm>>) target(%dma_start3A_347 : memref<1x32xf32, #tpu.memory_space<vmem>>) target_semaphore(%arg7 : memref<!tpu.dma_semaphore, #tpu.memory_space<semaphore_mem>>)
      %slice3A_350 = vector.extract_strided_slice %get3A_335 {offsets = [1], sizes = [1], strides = [1]} : vector<16xi32> to vector<1xi32>
      %squeeze3A_351 = vector.extract %slice3A_350[0] : i32 from vector<1xi32>
      %mul3A_352 = arith.constant 16 : i32
      %mul3A_353 = arith.muli %scan3A_330, %mul3A_352 : i32
      %add3A_354 = arith.constant 1 : i32
      %add3A_355 = arith.addi %mul3A_353, %add3A_354 : i32
      %dma_start3A_356 = arith.constant 0 : i32
      %dma_start3A_357 = tpu.memref_slice %arg6[%add3A_355, %dma_start3A_356] : memref<512x32xf32, #tpu.memory_space<vmem>> -> memref<1x32xf32, #tpu.memory_space<vmem>>
      %dma_start3A_358 = arith.constant 0 : i32
      %dma_start3A_359 = tpu.memref_slice %arg3[%squeeze3A_351, %dma_start3A_358] : memref<1000000x32xf32, #tpu.memory_space<hbm>> -> memref<1x32xf32, #tpu.memory_space<hbm>>
      %dma_start3A_360 = arith.constant 0 : i32
      %dma_start3A_361 = tpu.memref_slice %arg6[%add3A_355, %dma_start3A_360] : memref<512x32xf32, #tpu.memory_space<vmem>> -> memref<1x32xf32, #tpu.memory_space<vmem>>
      %dma_start3A_362 = arith.constant 0 : i32
      %dma_start3A_363 = tpu.memref_slice %arg3[%squeeze3A_351, %dma_start3A_362] : memref<1000000x32xf32, #tpu.memory_space<hbm>> -> memref<1x32xf32, #tpu.memory_space<hbm>>
      tpu.enqueue_dma source(%dma_start3A_363 : memref<1x32xf32, #tpu.memory_space<hbm>>) target(%dma_start3A_361 : memref<1x32xf32, #tpu.memory_space<vmem>>) target_semaphore(%arg8 : memref<!tpu.dma_semaphore, #tpu.memory_space<semaphore_mem>>)
      %slice3A_364 = vector.extract_strided_slice %get3A_335 {offsets = [2], sizes = [1], strides = [1]} : vector<16xi32> to vector<1xi32>
      %squeeze3A_365 = vector.extract %slice3A_364[0] : i32 from vector<1xi32>
      %mul3A_366 = arith.constant 16 : i32
      %mul3A_367 = arith.muli %scan3A_330, %mul3A_366 : i32
      %add3A_368 = arith.constant 2 : i32
      %add3A_369 = arith.addi %mul3A_367, %add3A_368 : i32
      %dma_start3A_370 = arith.constant 0 : i32
      %dma_start3A_371 = tpu.memref_slice %arg6[%add3A_369, %dma_start3A_370] : memref<512x32xf32, #tpu.memory_space<vmem>> -> memref<1x32xf32, #tpu.memory_space<vmem>>
      %dma_start3A_372 = arith.constant 0 : i32
      %dma_start3A_373 = tpu.memref_slice %arg3[%squeeze3A_365, %dma_start3A_372] : memref<1000000x32xf32, #tpu.memory_space<hbm>> -> memref<1x32xf32, #tpu.memory_space<hbm>>
      %dma_start3A_374 = arith.constant 0 : i32
      %dma_start3A_375 = tpu.memref_slice %arg6[%add3A_369, %dma_start3A_374] : memref<512x32xf32, #tpu.memory_space<vmem>> -> memref<1x32xf32, #tpu.memory_space<vmem>>
      %dma_start3A_376 = arith.constant 0 : i32
      %dma_start3A_377 = tpu.memref_slice %arg3[%squeeze3A_365, %dma_start3A_376] : memref<1000000x32xf32, #tpu.memory_space<hbm>> -> memref<1x32xf32, #tpu.memory_space<hbm>>
      tpu.enqueue_dma source(%dma_start3A_377 : memref<1x32xf32, #tpu.memory_space<hbm>>) target(%dma_start3A_375 : memref<1x32xf32, #tpu.memory_space<vmem>>) target_semaphore(%arg9 : memref<!tpu.dma_semaphore, #tpu.memory_space<semaphore_mem>>)
      %slice3A_378 = vector.extract_strided_slice %get3A_335 {offsets = [3], sizes = [1], strides = [1]} : vector<16xi32> to vector<1xi32>
      %squeeze3A_379 = vector.extract %slice3A_378[0] : i32 from vector<1xi32>
      %mul3A_380 = arith.constant 16 : i32
      %mul3A_381 = arith.muli %scan3A_330, %mul3A_380 : i32
      %add3A_382 = arith.constant 3 : i32
      %add3A_383 = arith.addi %mul3A_381, %add3A_382 : i32
      %dma_start3A_384 = arith.constant 0 : i32
      %dma_start3A_385 = tpu.memref_slice %arg6[%add3A_383, %dma_start3A_384] : memref<512x32xf32, #tpu.memory_space<vmem>> -> memref<1x32xf32, #tpu.memory_space<vmem>>
      %dma_start3A_386 = arith.constant 0 : i32
      %dma_start3A_387 = tpu.memref_slice %arg3[%squeeze3A_379, %dma_start3A_386] : memref<1000000x32xf32, #tpu.memory_space<hbm>> -> memref<1x32xf32, #tpu.memory_space<hbm>>
      %dma_start3A_388 = arith.constant 0 : i32
      %dma_start3A_389 = tpu.memref_slice %arg6[%add3A_383, %dma_start3A_388] : memref<512x32xf32, #tpu.memory_space<vmem>> -> memref<1x32xf32, #tpu.memory_space<vmem>>
      %dma_start3A_390 = arith.constant 0 : i32
      %dma_start3A_391 = tpu.memref_slice %arg3[%squeeze3A_379, %dma_start3A_390] : memref<1000000x32xf32, #tpu.memory_space<hbm>> -> memref<1x32xf32, #tpu.memory_space<hbm>>
      tpu.enqueue_dma source(%dma_start3A_391 : memref<1x32xf32, #tpu.memory_space<hbm>>) target(%dma_start3A_389 : memref<1x32xf32, #tpu.memory_space<vmem>>) target_semaphore(%arg10 : memref<!tpu.dma_semaphore, #tpu.memory_space<semaphore_mem>>)
      %slice3A_392 = vector.extract_strided_slice %get3A_335 {offsets = [4], sizes = [1], strides = [1]} : vector<16xi32> to vector<1xi32>
      %squeeze3A_393 = vector.extract %slice3A_392[0] : i32 from vector<1xi32>
      %mul3A_394 = arith.constant 16 : i32
      %mul3A_395 = arith.muli %scan3A_330, %mul3A_394 : i32
      %add3A_396 = arith.constant 4 : i32
      %add3A_397 = arith.addi %mul3A_395, %add3A_396 : i32
      %dma_start3A_398 = arith.constant 0 : i32
      %dma_start3A_399 = tpu.memref_slice %arg6[%add3A_397, %dma_start3A_398] : memref<512x32xf32, #tpu.memory_space<vmem>> -> memref<1x32xf32, #tpu.memory_space<vmem>>
      %dma_start3A_400 = arith.constant 0 : i32
      %dma_start3A_401 = tpu.memref_slice %arg3[%squeeze3A_393, %dma_start3A_400] : memref<1000000x32xf32, #tpu.memory_space<hbm>> -> memref<1x32xf32, #tpu.memory_space<hbm>>
      %dma_start3A_402 = arith.constant 0 : i32
      %dma_start3A_403 = tpu.memref_slice %arg6[%add3A_397, %dma_start3A_402] : memref<512x32xf32, #tpu.memory_space<vmem>> -> memref<1x32xf32, #tpu.memory_space<vmem>>
      %dma_start3A_404 = arith.constant 0 : i32
      %dma_start3A_405 = tpu.memref_slice %arg3[%squeeze3A_393, %dma_start3A_404] : memref<1000000x32xf32, #tpu.memory_space<hbm>> -> memref<1x32xf32, #tpu.memory_space<hbm>>
      tpu.enqueue_dma source(%dma_start3A_405 : memref<1x32xf32, #tpu.memory_space<hbm>>) target(%dma_start3A_403 : memref<1x32xf32, #tpu.memory_space<vmem>>) target_semaphore(%arg11 : memref<!tpu.dma_semaphore, #tpu.memory_space<semaphore_mem>>)
      %slice3A_406 = vector.extract_strided_slice %get3A_335 {offsets = [5], sizes = [1], strides = [1]} : vector<16xi32> to vector<1xi32>
      %squeeze3A_407 = vector.extract %slice3A_406[0] : i32 from vector<1xi32>
      %mul3A_408 = arith.constant 16 : i32
      %mul3A_409 = arith.muli %scan3A_330, %mul3A_408 : i32
      %add3A_410 = arith.constant 5 : i32
      %add3A_411 = arith.addi %mul3A_409, %add3A_410 : i32
      %dma_start3A_412 = arith.constant 0 : i32
      %dma_start3A_413 = tpu.memref_slice %arg6[%add3A_411, %dma_start3A_412] : memref<512x32xf32, #tpu.memory_space<vmem>> -> memref<1x32xf32, #tpu.memory_space<vmem>>
      %dma_start3A_414 = arith.constant 0 : i32
      %dma_start3A_415 = tpu.memref_slice %arg3[%squeeze3A_407, %dma_start3A_414] : memref<1000000x32xf32, #tpu.memory_space<hbm>> -> memref<1x32xf32, #tpu.memory_space<hbm>>
      %dma_start3A_416 = arith.constant 0 : i32
      %dma_start3A_417 = tpu.memref_slice %arg6[%add3A_411, %dma_start3A_416] : memref<512x32xf32, #tpu.memory_space<vmem>> -> memref<1x32xf32, #tpu.memory_space<vmem>>
      %dma_start3A_418 = arith.constant 0 : i32
      %dma_start3A_419 = tpu.memref_slice %arg3[%squeeze3A_407, %dma_start3A_418] : memref<1000000x32xf32, #tpu.memory_space<hbm>> -> memref<1x32xf32, #tpu.memory_space<hbm>>
      tpu.enqueue_dma source(%dma_start3A_419 : memref<1x32xf32, #tpu.memory_space<hbm>>) target(%dma_start3A_417 : memref<1x32xf32, #tpu.memory_space<vmem>>) target_semaphore(%arg12 : memref<!tpu.dma_semaphore, #tpu.memory_space<semaphore_mem>>)
      %slice3A_420 = vector.extract_strided_slice %get3A_335 {offsets = [6], sizes = [1], strides = [1]} : vector<16xi32> to vector<1xi32>
      %squeeze3A_421 = vector.extract %slice3A_420[0] : i32 from vector<1xi32>
      %mul3A_422 = arith.constant 16 : i32
      %mul3A_423 = arith.muli %scan3A_330, %mul3A_422 : i32
      %add3A_424 = arith.constant 6 : i32
      %add3A_425 = arith.addi %mul3A_423, %add3A_424 : i32
      %dma_start3A_426 = arith.constant 0 : i32
      %dma_start3A_427 = tpu.memref_slice %arg6[%add3A_425, %dma_start3A_426] : memref<512x32xf32, #tpu.memory_space<vmem>> -> memref<1x32xf32, #tpu.memory_space<vmem>>
      %dma_start3A_428 = arith.constant 0 : i32
      %dma_start3A_429 = tpu.memref_slice %arg3[%squeeze3A_421, %dma_start3A_428] : memref<1000000x32xf32, #tpu.memory_space<hbm>> -> memref<1x32xf32, #tpu.memory_space<hbm>>
      %dma_start3A_430 = arith.constant 0 : i32
      %dma_start3A_431 = tpu.memref_slice %arg6[%add3A_425, %dma_start3A_430] : memref<512x32xf32, #tpu.memory_space<vmem>> -> memref<1x32xf32, #tpu.memory_space<vmem>>
      %dma_start3A_432 = arith.constant 0 : i32
      %dma_start3A_433 = tpu.memref_slice %arg3[%squeeze3A_421, %dma_start3A_432] : memref<1000000x32xf32, #tpu.memory_space<hbm>> -> memref<1x32xf32, #tpu.memory_space<hbm>>
      tpu.enqueue_dma source(%dma_start3A_433 : memref<1x32xf32, #tpu.memory_space<hbm>>) target(%dma_start3A_431 : memref<1x32xf32, #tpu.memory_space<vmem>>) target_semaphore(%arg13 : memref<!tpu.dma_semaphore, #tpu.memory_space<semaphore_mem>>)
      %slice3A_434 = vector.extract_strided_slice %get3A_335 {offsets = [7], sizes = [1], strides = [1]} : vector<16xi32> to vector<1xi32>
      %squeeze3A_435 = vector.extract %slice3A_434[0] : i32 from vector<1xi32>
      %mul3A_436 = arith.constant 16 : i32
      %mul3A_437 = arith.muli %scan3A_330, %mul3A_436 : i32
      %add3A_438 = arith.constant 7 : i32
      %add3A_439 = arith.addi %mul3A_437, %add3A_438 : i32
      %dma_start3A_440 = arith.constant 0 : i32
      %dma_start3A_441 = tpu.memref_slice %arg6[%add3A_439, %dma_start3A_440] : memref<512x32xf32, #tpu.memory_space<vmem>> -> memref<1x32xf32, #tpu.memory_space<vmem>>
      %dma_start3A_442 = arith.constant 0 : i32
      %dma_start3A_443 = tpu.memref_slice %arg3[%squeeze3A_435, %dma_start3A_442] : memref<1000000x32xf32, #tpu.memory_space<hbm>> -> memref<1x32xf32, #tpu.memory_space<hbm>>
      %dma_start3A_444 = arith.constant 0 : i32
      %dma_start3A_445 = tpu.memref_slice %arg6[%add3A_439, %dma_start3A_444] : memref<512x32xf32, #tpu.memory_space<vmem>> -> memref<1x32xf32, #tpu.memory_space<vmem>>
      %dma_start3A_446 = arith.constant 0 : i32
      %dma_start3A_447 = tpu.memref_slice %arg3[%squeeze3A_435, %dma_start3A_446] : memref<1000000x32xf32, #tpu.memory_space<hbm>> -> memref<1x32xf32, #tpu.memory_space<hbm>>
      tpu.enqueue_dma source(%dma_start3A_447 : memref<1x32xf32, #tpu.memory_space<hbm>>) target(%dma_start3A_445 : memref<1x32xf32, #tpu.memory_space<vmem>>) target_semaphore(%arg14 : memref<!tpu.dma_semaphore, #tpu.memory_space<semaphore_mem>>)
      %slice3A_448 = vector.extract_strided_slice %get3A_335 {offsets = [8], sizes = [1], strides = [1]} : vector<16xi32> to vector<1xi32>
      %squeeze3A_449 = vector.extract %slice3A_448[0] : i32 from vector<1xi32>
      %mul3A_450 = arith.constant 16 : i32
      %mul3A_451 = arith.muli %scan3A_330, %mul3A_450 : i32
      %add3A_452 = arith.constant 8 : i32
      %add3A_453 = arith.addi %mul3A_451, %add3A_452 : i32
      %dma_start3A_454 = arith.constant 0 : i32
      %dma_start3A_455 = tpu.memref_slice %arg6[%add3A_453, %dma_start3A_454] : memref<512x32xf32, #tpu.memory_space<vmem>> -> memref<1x32xf32, #tpu.memory_space<vmem>>
      %dma_start3A_456 = arith.constant 0 : i32
      %dma_start3A_457 = tpu.memref_slice %arg3[%squeeze3A_449, %dma_start3A_456] : memref<1000000x32xf32, #tpu.memory_space<hbm>> -> memref<1x32xf32, #tpu.memory_space<hbm>>
      %dma_start3A_458 = arith.constant 0 : i32
      %dma_start3A_459 = tpu.memref_slice %arg6[%add3A_453, %dma_start3A_458] : memref<512x32xf32, #tpu.memory_space<vmem>> -> memref<1x32xf32, #tpu.memory_space<vmem>>
      %dma_start3A_460 = arith.constant 0 : i32
      %dma_start3A_461 = tpu.memref_slice %arg3[%squeeze3A_449, %dma_start3A_460] : memref<1000000x32xf32, #tpu.memory_space<hbm>> -> memref<1x32xf32, #tpu.memory_space<hbm>>
      tpu.enqueue_dma source(%dma_start3A_461 : memref<1x32xf32, #tpu.memory_space<hbm>>) target(%dma_start3A_459 : memref<1x32xf32, #tpu.memory_space<vmem>>) target_semaphore(%arg7 : memref<!tpu.dma_semaphore, #tpu.memory_space<semaphore_mem>>)
      %slice3A_462 = vector.extract_strided_slice %get3A_335 {offsets = [9], sizes = [1], strides = [1]} : vector<16xi32> to vector<1xi32>
      %squeeze3A_463 = vector.extract %slice3A_462[0] : i32 from vector<1xi32>
      %mul3A_464 = arith.constant 16 : i32
      %mul3A_465 = arith.muli %scan3A_330, %mul3A_464 : i32
      %add3A_466 = arith.constant 9 : i32
      %add3A_467 = arith.addi %mul3A_465, %add3A_466 : i32
      %dma_start3A_468 = arith.constant 0 : i32
      %dma_start3A_469 = tpu.memref_slice %arg6[%add3A_467, %dma_start3A_468] : memref<512x32xf32, #tpu.memory_space<vmem>> -> memref<1x32xf32, #tpu.memory_space<vmem>>
      %dma_start3A_470 = arith.constant 0 : i32
      %dma_start3A_471 = tpu.memref_slice %arg3[%squeeze3A_463, %dma_start3A_470] : memref<1000000x32xf32, #tpu.memory_space<hbm>> -> memref<1x32xf32, #tpu.memory_space<hbm>>
      %dma_start3A_472 = arith.constant 0 : i32
      %dma_start3A_473 = tpu.memref_slice %arg6[%add3A_467, %dma_start3A_472] : memref<512x32xf32, #tpu.memory_space<vmem>> -> memref<1x32xf32, #tpu.memory_space<vmem>>
      %dma_start3A_474 = arith.constant 0 : i32
      %dma_start3A_475 = tpu.memref_slice %arg3[%squeeze3A_463, %dma_start3A_474] : memref<1000000x32xf32, #tpu.memory_space<hbm>> -> memref<1x32xf32, #tpu.memory_space<hbm>>
      tpu.enqueue_dma source(%dma_start3A_475 : memref<1x32xf32, #tpu.memory_space<hbm>>) target(%dma_start3A_473 : memref<1x32xf32, #tpu.memory_space<vmem>>) target_semaphore(%arg8 : memref<!tpu.dma_semaphore, #tpu.memory_space<semaphore_mem>>)
      %slice3A_476 = vector.extract_strided_slice %get3A_335 {offsets = [10], sizes = [1], strides = [1]} : vector<16xi32> to vector<1xi32>
      %squeeze3A_477 = vector.extract %slice3A_476[0] : i32 from vector<1xi32>
      %mul3A_478 = arith.constant 16 : i32
      %mul3A_479 = arith.muli %scan3A_330, %mul3A_478 : i32
      %add3A_480 = arith.constant 10 : i32
      %add3A_481 = arith.addi %mul3A_479, %add3A_480 : i32
      %dma_start3A_482 = arith.constant 0 : i32
      %dma_start3A_483 = tpu.memref_slice %arg6[%add3A_481, %dma_start3A_482] : memref<512x32xf32, #tpu.memory_space<vmem>> -> memref<1x32xf32, #tpu.memory_space<vmem>>
      %dma_start3A_484 = arith.constant 0 : i32
      %dma_start3A_485 = tpu.memref_slice %arg3[%squeeze3A_477, %dma_start3A_484] : memref<1000000x32xf32, #tpu.memory_space<hbm>> -> memref<1x32xf32, #tpu.memory_space<hbm>>
      %dma_start3A_486 = arith.constant 0 : i32
      %dma_start3A_487 = tpu.memref_slice %arg6[%add3A_481, %dma_start3A_486] : memref<512x32xf32, #tpu.memory_space<vmem>> -> memref<1x32xf32, #tpu.memory_space<vmem>>
      %dma_start3A_488 = arith.constant 0 : i32
      %dma_start3A_489 = tpu.memref_slice %arg3[%squeeze3A_477, %dma_start3A_488] : memref<1000000x32xf32, #tpu.memory_space<hbm>> -> memref<1x32xf32, #tpu.memory_space<hbm>>
      tpu.enqueue_dma source(%dma_start3A_489 : memref<1x32xf32, #tpu.memory_space<hbm>>) target(%dma_start3A_487 : memref<1x32xf32, #tpu.memory_space<vmem>>) target_semaphore(%arg9 : memref<!tpu.dma_semaphore, #tpu.memory_space<semaphore_mem>>)
      %slice3A_490 = vector.extract_strided_slice %get3A_335 {offsets = [11], sizes = [1], strides = [1]} : vector<16xi32> to vector<1xi32>
      %squeeze3A_491 = vector.extract %slice3A_490[0] : i32 from vector<1xi32>
      %mul3A_492 = arith.constant 16 : i32
      %mul3A_493 = arith.muli %scan3A_330, %mul3A_492 : i32
      %add3A_494 = arith.constant 11 : i32
      %add3A_495 = arith.addi %mul3A_493, %add3A_494 : i32
      %dma_start3A_496 = arith.constant 0 : i32
      %dma_start3A_497 = tpu.memref_slice %arg6[%add3A_495, %dma_start3A_496] : memref<512x32xf32, #tpu.memory_space<vmem>> -> memref<1x32xf32, #tpu.memory_space<vmem>>
      %dma_start3A_498 = arith.constant 0 : i32
      %dma_start3A_499 = tpu.memref_slice %arg3[%squeeze3A_491, %dma_start3A_498] : memref<1000000x32xf32, #tpu.memory_space<hbm>> -> memref<1x32xf32, #tpu.memory_space<hbm>>
      %dma_start3A_500 = arith.constant 0 : i32
      %dma_start3A_501 = tpu.memref_slice %arg6[%add3A_495, %dma_start3A_500] : memref<512x32xf32, #tpu.memory_space<vmem>> -> memref<1x32xf32, #tpu.memory_space<vmem>>
      %dma_start3A_502 = arith.constant 0 : i32
      %dma_start3A_503 = tpu.memref_slice %arg3[%squeeze3A_491, %dma_start3A_502] : memref<1000000x32xf32, #tpu.memory_space<hbm>> -> memref<1x32xf32, #tpu.memory_space<hbm>>
      tpu.enqueue_dma source(%dma_start3A_503 : memref<1x32xf32, #tpu.memory_space<hbm>>) target(%dma_start3A_501 : memref<1x32xf32, #tpu.memory_space<vmem>>) target_semaphore(%arg10 : memref<!tpu.dma_semaphore, #tpu.memory_space<semaphore_mem>>)
      %slice3A_504 = vector.extract_strided_slice %get3A_335 {offsets = [12], sizes = [1], strides = [1]} : vector<16xi32> to vector<1xi32>
      %squeeze3A_505 = vector.extract %slice3A_504[0] : i32 from vector<1xi32>
      %mul3A_506 = arith.constant 16 : i32
      %mul3A_507 = arith.muli %scan3A_330, %mul3A_506 : i32
      %add3A_508 = arith.constant 12 : i32
      %add3A_509 = arith.addi %mul3A_507, %add3A_508 : i32
      %dma_start3A_510 = arith.constant 0 : i32
      %dma_start3A_511 = tpu.memref_slice %arg6[%add3A_509, %dma_start3A_510] : memref<512x32xf32, #tpu.memory_space<vmem>> -> memref<1x32xf32, #tpu.memory_space<vmem>>
      %dma_start3A_512 = arith.constant 0 : i32
      %dma_start3A_513 = tpu.memref_slice %arg3[%squeeze3A_505, %dma_start3A_512] : memref<1000000x32xf32, #tpu.memory_space<hbm>> -> memref<1x32xf32, #tpu.memory_space<hbm>>
      %dma_start3A_514 = arith.constant 0 : i32
      %dma_start3A_515 = tpu.memref_slice %arg6[%add3A_509, %dma_start3A_514] : memref<512x32xf32, #tpu.memory_space<vmem>> -> memref<1x32xf32, #tpu.memory_space<vmem>>
      %dma_start3A_516 = arith.constant 0 : i32
      %dma_start3A_517 = tpu.memref_slice %arg3[%squeeze3A_505, %dma_start3A_516] : memref<1000000x32xf32, #tpu.memory_space<hbm>> -> memref<1x32xf32, #tpu.memory_space<hbm>>
      tpu.enqueue_dma source(%dma_start3A_517 : memref<1x32xf32, #tpu.memory_space<hbm>>) target(%dma_start3A_515 : memref<1x32xf32, #tpu.memory_space<vmem>>) target_semaphore(%arg11 : memref<!tpu.dma_semaphore, #tpu.memory_space<semaphore_mem>>)
      %slice3A_518 = vector.extract_strided_slice %get3A_335 {offsets = [13], sizes = [1], strides = [1]} : vector<16xi32> to vector<1xi32>
      %squeeze3A_519 = vector.extract %slice3A_518[0] : i32 from vector<1xi32>
      %mul3A_520 = arith.constant 16 : i32
      %mul3A_521 = arith.muli %scan3A_330, %mul3A_520 : i32
      %add3A_522 = arith.constant 13 : i32
      %add3A_523 = arith.addi %mul3A_521, %add3A_522 : i32
      %dma_start3A_524 = arith.constant 0 : i32
      %dma_start3A_525 = tpu.memref_slice %arg6[%add3A_523, %dma_start3A_524] : memref<512x32xf32, #tpu.memory_space<vmem>> -> memref<1x32xf32, #tpu.memory_space<vmem>>
      %dma_start3A_526 = arith.constant 0 : i32
      %dma_start3A_527 = tpu.memref_slice %arg3[%squeeze3A_519, %dma_start3A_526] : memref<1000000x32xf32, #tpu.memory_space<hbm>> -> memref<1x32xf32, #tpu.memory_space<hbm>>
      %dma_start3A_528 = arith.constant 0 : i32
      %dma_start3A_529 = tpu.memref_slice %arg6[%add3A_523, %dma_start3A_528] : memref<512x32xf32, #tpu.memory_space<vmem>> -> memref<1x32xf32, #tpu.memory_space<vmem>>
      %dma_start3A_530 = arith.constant 0 : i32
      %dma_start3A_531 = tpu.memref_slice %arg3[%squeeze3A_519, %dma_start3A_530] : memref<1000000x32xf32, #tpu.memory_space<hbm>> -> memref<1x32xf32, #tpu.memory_space<hbm>>
      tpu.enqueue_dma source(%dma_start3A_531 : memref<1x32xf32, #tpu.memory_space<hbm>>) target(%dma_start3A_529 : memref<1x32xf32, #tpu.memory_space<vmem>>) target_semaphore(%arg12 : memref<!tpu.dma_semaphore, #tpu.memory_space<semaphore_mem>>)
      %slice3A_532 = vector.extract_strided_slice %get3A_335 {offsets = [14], sizes = [1], strides = [1]} : vector<16xi32> to vector<1xi32>
      %squeeze3A_533 = vector.extract %slice3A_532[0] : i32 from vector<1xi32>
      %mul3A_534 = arith.constant 16 : i32
      %mul3A_535 = arith.muli %scan3A_330, %mul3A_534 : i32
      %add3A_536 = arith.constant 14 : i32
      %add3A_537 = arith.addi %mul3A_535, %add3A_536 : i32
      %dma_start3A_538 = arith.constant 0 : i32
      %dma_start3A_539 = tpu.memref_slice %arg6[%add3A_537, %dma_start3A_538] : memref<512x32xf32, #tpu.memory_space<vmem>> -> memref<1x32xf32, #tpu.memory_space<vmem>>
      %dma_start3A_540 = arith.constant 0 : i32
      %dma_start3A_541 = tpu.memref_slice %arg3[%squeeze3A_533, %dma_start3A_540] : memref<1000000x32xf32, #tpu.memory_space<hbm>> -> memref<1x32xf32, #tpu.memory_space<hbm>>
      %dma_start3A_542 = arith.constant 0 : i32
      %dma_start3A_543 = tpu.memref_slice %arg6[%add3A_537, %dma_start3A_542] : memref<512x32xf32, #tpu.memory_space<vmem>> -> memref<1x32xf32, #tpu.memory_space<vmem>>
      %dma_start3A_544 = arith.constant 0 : i32
      %dma_start3A_545 = tpu.memref_slice %arg3[%squeeze3A_533, %dma_start3A_544] : memref<1000000x32xf32, #tpu.memory_space<hbm>> -> memref<1x32xf32, #tpu.memory_space<hbm>>
      tpu.enqueue_dma source(%dma_start3A_545 : memref<1x32xf32, #tpu.memory_space<hbm>>) target(%dma_start3A_543 : memref<1x32xf32, #tpu.memory_space<vmem>>) target_semaphore(%arg13 : memref<!tpu.dma_semaphore, #tpu.memory_space<semaphore_mem>>)
      %slice3A_546 = vector.extract_strided_slice %get3A_335 {offsets = [15], sizes = [1], strides = [1]} : vector<16xi32> to vector<1xi32>
      %squeeze3A_547 = vector.extract %slice3A_546[0] : i32 from vector<1xi32>
      %mul3A_548 = arith.constant 16 : i32
      %mul3A_549 = arith.muli %scan3A_330, %mul3A_548 : i32
      %add3A_550 = arith.constant 15 : i32
      %add3A_551 = arith.addi %mul3A_549, %add3A_550 : i32
      %dma_start3A_552 = arith.constant 0 : i32
      %dma_start3A_553 = tpu.memref_slice %arg6[%add3A_551, %dma_start3A_552] : memref<512x32xf32, #tpu.memory_space<vmem>> -> memref<1x32xf32, #tpu.memory_space<vmem>>
      %dma_start3A_554 = arith.constant 0 : i32
      %dma_start3A_555 = tpu.memref_slice %arg3[%squeeze3A_547, %dma_start3A_554] : memref<1000000x32xf32, #tpu.memory_space<hbm>> -> memref<1x32xf32, #tpu.memory_space<hbm>>
      %dma_start3A_556 = arith.constant 0 : i32
      %dma_start3A_557 = tpu.memref_slice %arg6[%add3A_551, %dma_start3A_556] : memref<512x32xf32, #tpu.memory_space<vmem>> -> memref<1x32xf32, #tpu.memory_space<vmem>>
      %dma_start3A_558 = arith.constant 0 : i32
      %dma_start3A_559 = tpu.memref_slice %arg3[%squeeze3A_547, %dma_start3A_558] : memref<1000000x32xf32, #tpu.memory_space<hbm>> -> memref<1x32xf32, #tpu.memory_space<hbm>>
      tpu.enqueue_dma source(%dma_start3A_559 : memref<1x32xf32, #tpu.memory_space<hbm>>) target(%dma_start3A_557 : memref<1x32xf32, #tpu.memory_space<vmem>>) target_semaphore(%arg14 : memref<!tpu.dma_semaphore, #tpu.memory_space<semaphore_mem>>)
    }
    %scan3A_7 = arith.constant 32 : i32
    %dma_wait3A = arith.constant 0 : i32
    %dma_wait3A_8 = arith.constant 0 : i32
    %dma_wait3A_9 = tpu.memref_slice %arg6[%dma_wait3A, %dma_wait3A_8] : memref<512x32xf32, #tpu.memory_space<vmem>> -> memref<64x32xf32, #tpu.memory_space<vmem>>
    %dma_wait3A_10 = arith.constant 0 : i32
    %dma_wait3A_11 = arith.constant 0 : i32
    %dma_wait3A_12 = tpu.memref_slice %arg3[%dma_wait3A_10, %dma_wait3A_11] : memref<1000000x32xf32, #tpu.memory_space<hbm>> -> memref<64x32xf32, #tpu.memory_space<hbm>>
    %dma_wait3A_13 = arith.constant 0 : i32
    %dma_wait3A_14 = arith.constant 0 : i32
    %dma_wait3A_15 = tpu.memref_slice %arg6[%dma_wait3A_13, %dma_wait3A_14] : memref<512x32xf32, #tpu.memory_space<vmem>> -> memref<64x32xf32, #tpu.memory_space<vmem>>
    %dma_wait3A_16 = arith.constant 0 : i32
    %dma_wait3A_17 = arith.constant 0 : i32
    %dma_wait3A_18 = tpu.memref_slice %arg3[%dma_wait3A_16, %dma_wait3A_17] : memref<1000000x32xf32, #tpu.memory_space<hbm>> -> memref<64x32xf32, #tpu.memory_space<hbm>>
    tpu.wait_dma2 semaphore(%arg7 : memref<!tpu.dma_semaphore, #tpu.memory_space<semaphore_mem>>) src(%dma_wait3A_18 : memref<64x32xf32, #tpu.memory_space<hbm>>) dst(%dma_wait3A_15 : memref<64x32xf32, #tpu.memory_space<vmem>>)
    %dma_wait3A_19 = arith.constant 0 : i32
    %dma_wait3A_20 = arith.constant 0 : i32
    %dma_wait3A_21 = tpu.memref_slice %arg6[%dma_wait3A_19, %dma_wait3A_20] : memref<512x32xf32, #tpu.memory_space<vmem>> -> memref<64x32xf32, #tpu.memory_space<vmem>>
    %dma_wait3A_22 = arith.constant 0 : i32
    %dma_wait3A_23 = arith.constant 0 : i32
    %dma_wait3A_24 = tpu.memref_slice %arg3[%dma_wait3A_22, %dma_wait3A_23] : memref<1000000x32xf32, #tpu.memory_space<hbm>> -> memref<64x32xf32, #tpu.memory_space<hbm>>
    %dma_wait3A_25 = arith.constant 0 : i32
    %dma_wait3A_26 = arith.constant 0 : i32
    %dma_wait3A_27 = tpu.memref_slice %arg6[%dma_wait3A_25, %dma_wait3A_26] : memref<512x32xf32, #tpu.memory_space<vmem>> -> memref<64x32xf32, #tpu.memory_space<vmem>>
    %dma_wait3A_28 = arith.constant 0 : i32
    %dma_wait3A_29 = arith.constant 0 : i32
    %dma_wait3A_30 = tpu.memref_slice %arg3[%dma_wait3A_28, %dma_wait3A_29] : memref<1000000x32xf32, #tpu.memory_space<hbm>> -> memref<64x32xf32, #tpu.memory_space<hbm>>
    tpu.wait_dma2 semaphore(%arg8 : memref<!tpu.dma_semaphore, #tpu.memory_space<semaphore_mem>>) src(%dma_wait3A_30 : memref<64x32xf32, #tpu.memory_space<hbm>>) dst(%dma_wait3A_27 : memref<64x32xf32, #tpu.memory_space<vmem>>)
    %dma_wait3A_31 = arith.constant 0 : i32
    %dma_wait3A_32 = arith.constant 0 : i32
    %dma_wait3A_33 = tpu.memref_slice %arg6[%dma_wait3A_31, %dma_wait3A_32] : memref<512x32xf32, #tpu.memory_space<vmem>> -> memref<64x32xf32, #tpu.memory_space<vmem>>
    %dma_wait3A_34 = arith.constant 0 : i32
    %dma_wait3A_35 = arith.constant 0 : i32
    %dma_wait3A_36 = tpu.memref_slice %arg3[%dma_wait3A_34, %dma_wait3A_35] : memref<1000000x32xf32, #tpu.memory_space<hbm>> -> memref<64x32xf32, #tpu.memory_space<hbm>>
    %dma_wait3A_37 = arith.constant 0 : i32
    %dma_wait3A_38 = arith.constant 0 : i32
    %dma_wait3A_39 = tpu.memref_slice %arg6[%dma_wait3A_37, %dma_wait3A_38] : memref<512x32xf32, #tpu.memory_space<vmem>> -> memref<64x32xf32, #tpu.memory_space<vmem>>
    %dma_wait3A_40 = arith.constant 0 : i32
    %dma_wait3A_41 = arith.constant 0 : i32
    %dma_wait3A_42 = tpu.memref_slice %arg3[%dma_wait3A_40, %dma_wait3A_41] : memref<1000000x32xf32, #tpu.memory_space<hbm>> -> memref<64x32xf32, #tpu.memory_space<hbm>>
    tpu.wait_dma2 semaphore(%arg9 : memref<!tpu.dma_semaphore, #tpu.memory_space<semaphore_mem>>) src(%dma_wait3A_42 : memref<64x32xf32, #tpu.memory_space<hbm>>) dst(%dma_wait3A_39 : memref<64x32xf32, #tpu.memory_space<vmem>>)
    %dma_wait3A_43 = arith.constant 0 : i32
    %dma_wait3A_44 = arith.constant 0 : i32
    %dma_wait3A_45 = tpu.memref_slice %arg6[%dma_wait3A_43, %dma_wait3A_44] : memref<512x32xf32, #tpu.memory_space<vmem>> -> memref<64x32xf32, #tpu.memory_space<vmem>>
    %dma_wait3A_46 = arith.constant 0 : i32
    %dma_wait3A_47 = arith.constant 0 : i32
    %dma_wait3A_48 = tpu.memref_slice %arg3[%dma_wait3A_46, %dma_wait3A_47] : memref<1000000x32xf32, #tpu.memory_space<hbm>> -> memref<64x32xf32, #tpu.memory_space<hbm>>
    %dma_wait3A_49 = arith.constant 0 : i32
    %dma_wait3A_50 = arith.constant 0 : i32
    %dma_wait3A_51 = tpu.memref_slice %arg6[%dma_wait3A_49, %dma_wait3A_50] : memref<512x32xf32, #tpu.memory_space<vmem>> -> memref<64x32xf32, #tpu.memory_space<vmem>>
    %dma_wait3A_52 = arith.constant 0 : i32
    %dma_wait3A_53 = arith.constant 0 : i32
    %dma_wait3A_54 = tpu.memref_slice %arg3[%dma_wait3A_52, %dma_wait3A_53] : memref<1000000x32xf32, #tpu.memory_space<hbm>> -> memref<64x32xf32, #tpu.memory_space<hbm>>
    tpu.wait_dma2 semaphore(%arg10 : memref<!tpu.dma_semaphore, #tpu.memory_space<semaphore_mem>>) src(%dma_wait3A_54 : memref<64x32xf32, #tpu.memory_space<hbm>>) dst(%dma_wait3A_51 : memref<64x32xf32, #tpu.memory_space<vmem>>)
    %dma_wait3A_55 = arith.constant 0 : i32
    %dma_wait3A_56 = arith.constant 0 : i32
    %dma_wait3A_57 = tpu.memref_slice %arg6[%dma_wait3A_55, %dma_wait3A_56] : memref<512x32xf32, #tpu.memory_space<vmem>> -> memref<64x32xf32, #tpu.memory_space<vmem>>
    %dma_wait3A_58 = arith.constant 0 : i32
    %dma_wait3A_59 = arith.constant 0 : i32
    %dma_wait3A_60 = tpu.memref_slice %arg3[%dma_wait3A_58, %dma_wait3A_59] : memref<1000000x32xf32, #tpu.memory_space<hbm>> -> memref<64x32xf32, #tpu.memory_space<hbm>>
    %dma_wait3A_61 = arith.constant 0 : i32
    %dma_wait3A_62 = arith.constant 0 : i32
    %dma_wait3A_63 = tpu.memref_slice %arg6[%dma_wait3A_61, %dma_wait3A_62] : memref<512x32xf32, #tpu.memory_space<vmem>> -> memref<64x32xf32, #tpu.memory_space<vmem>>
    %dma_wait3A_64 = arith.constant 0 : i32
    %dma_wait3A_65 = arith.constant 0 : i32
    %dma_wait3A_66 = tpu.memref_slice %arg3[%dma_wait3A_64, %dma_wait3A_65] : memref<1000000x32xf32, #tpu.memory_space<hbm>> -> memref<64x32xf32, #tpu.memory_space<hbm>>
    tpu.wait_dma2 semaphore(%arg11 : memref<!tpu.dma_semaphore, #tpu.memory_space<semaphore_mem>>) src(%dma_wait3A_66 : memref<64x32xf32, #tpu.memory_space<hbm>>) dst(%dma_wait3A_63 : memref<64x32xf32, #tpu.memory_space<vmem>>)
    %dma_wait3A_67 = arith.constant 0 : i32
    %dma_wait3A_68 = arith.constant 0 : i32
    %dma_wait3A_69 = tpu.memref_slice %arg6[%dma_wait3A_67, %dma_wait3A_68] : memref<512x32xf32, #tpu.memory_space<vmem>> -> memref<64x32xf32, #tpu.memory_space<vmem>>
    %dma_wait3A_70 = arith.constant 0 : i32
    %dma_wait3A_71 = arith.constant 0 : i32
    %dma_wait3A_72 = tpu.memref_slice %arg3[%dma_wait3A_70, %dma_wait3A_71] : memref<1000000x32xf32, #tpu.memory_space<hbm>> -> memref<64x32xf32, #tpu.memory_space<hbm>>
    %dma_wait3A_73 = arith.constant 0 : i32
    %dma_wait3A_74 = arith.constant 0 : i32
    %dma_wait3A_75 = tpu.memref_slice %arg6[%dma_wait3A_73, %dma_wait3A_74] : memref<512x32xf32, #tpu.memory_space<vmem>> -> memref<64x32xf32, #tpu.memory_space<vmem>>
    %dma_wait3A_76 = arith.constant 0 : i32
    %dma_wait3A_77 = arith.constant 0 : i32
    %dma_wait3A_78 = tpu.memref_slice %arg3[%dma_wait3A_76, %dma_wait3A_77] : memref<1000000x32xf32, #tpu.memory_space<hbm>> -> memref<64x32xf32, #tpu.memory_space<hbm>>
    tpu.wait_dma2 semaphore(%arg12 : memref<!tpu.dma_semaphore, #tpu.memory_space<semaphore_mem>>) src(%dma_wait3A_78 : memref<64x32xf32, #tpu.memory_space<hbm>>) dst(%dma_wait3A_75 : memref<64x32xf32, #tpu.memory_space<vmem>>)
    %dma_wait3A_79 = arith.constant 0 : i32
    %dma_wait3A_80 = arith.constant 0 : i32
    %dma_wait3A_81 = tpu.memref_slice %arg6[%dma_wait3A_79, %dma_wait3A_80] : memref<512x32xf32, #tpu.memory_space<vmem>> -> memref<64x32xf32, #tpu.memory_space<vmem>>
    %dma_wait3A_82 = arith.constant 0 : i32
    %dma_wait3A_83 = arith.constant 0 : i32
    %dma_wait3A_84 = tpu.memref_slice %arg3[%dma_wait3A_82, %dma_wait3A_83] : memref<1000000x32xf32, #tpu.memory_space<hbm>> -> memref<64x32xf32, #tpu.memory_space<hbm>>
    %dma_wait3A_85 = arith.constant 0 : i32
    %dma_wait3A_86 = arith.constant 0 : i32
    %dma_wait3A_87 = tpu.memref_slice %arg6[%dma_wait3A_85, %dma_wait3A_86] : memref<512x32xf32, #tpu.memory_space<vmem>> -> memref<64x32xf32, #tpu.memory_space<vmem>>
    %dma_wait3A_88 = arith.constant 0 : i32
    %dma_wait3A_89 = arith.constant 0 : i32
    %dma_wait3A_90 = tpu.memref_slice %arg3[%dma_wait3A_88, %dma_wait3A_89] : memref<1000000x32xf32, #tpu.memory_space<hbm>> -> memref<64x32xf32, #tpu.memory_space<hbm>>
    tpu.wait_dma2 semaphore(%arg13 : memref<!tpu.dma_semaphore, #tpu.memory_space<semaphore_mem>>) src(%dma_wait3A_90 : memref<64x32xf32, #tpu.memory_space<hbm>>) dst(%dma_wait3A_87 : memref<64x32xf32, #tpu.memory_space<vmem>>)
    %dma_wait3A_91 = arith.constant 0 : i32
    %dma_wait3A_92 = arith.constant 0 : i32
    %dma_wait3A_93 = tpu.memref_slice %arg6[%dma_wait3A_91, %dma_wait3A_92] : memref<512x32xf32, #tpu.memory_space<vmem>> -> memref<64x32xf32, #tpu.memory_space<vmem>>
    %dma_wait3A_94 = arith.constant 0 : i32
    %dma_wait3A_95 = arith.constant 0 : i32
    %dma_wait3A_96 = tpu.memref_slice %arg3[%dma_wait3A_94, %dma_wait3A_95] : memref<1000000x32xf32, #tpu.memory_space<hbm>> -> memref<64x32xf32, #tpu.memory_space<hbm>>
    %dma_wait3A_97 = arith.constant 0 : i32
    %dma_wait3A_98 = arith.constant 0 : i32
    %dma_wait3A_99 = tpu.memref_slice %arg6[%dma_wait3A_97, %dma_wait3A_98] : memref<512x32xf32, #tpu.memory_space<vmem>> -> memref<64x32xf32, #tpu.memory_space<vmem>>
    %dma_wait3A_100 = arith.constant 0 : i32
    %dma_wait3A_101 = arith.constant 0 : i32
    %dma_wait3A_102 = tpu.memref_slice %arg3[%dma_wait3A_100, %dma_wait3A_101] : memref<1000000x32xf32, #tpu.memory_space<hbm>> -> memref<64x32xf32, #tpu.memory_space<hbm>>
    tpu.wait_dma2 semaphore(%arg14 : memref<!tpu.dma_semaphore, #tpu.memory_space<semaphore_mem>>) src(%dma_wait3A_102 : memref<64x32xf32, #tpu.memory_space<hbm>>) dst(%dma_wait3A_99 : memref<64x32xf32, #tpu.memory_space<vmem>>)
    "tpu.region"() ({
      %run_scoped3A = tpu.sem_alloc : memref<!tpu.dma_semaphore, #tpu.memory_space<semaphore_mem>>
      %dma_start3A = arith.constant 0 : i32
      %dma_start3A_103 = tpu.memref_slice %arg4[%mul3A_2, %dma_start3A] : memref<16384x32xf32, #tpu.memory_space<hbm>> -> memref<512x32xf32, #tpu.memory_space<hbm>>
      %dma_start3A_104 = arith.constant 0 : i32
      %dma_start3A_105 = tpu.memref_slice %arg4[%mul3A_2, %dma_start3A_104] : memref<16384x32xf32, #tpu.memory_space<hbm>> -> memref<512x32xf32, #tpu.memory_space<hbm>>
      tpu.enqueue_dma source(%arg6 : memref<512x32xf32, #tpu.memory_space<vmem>>) target(%dma_start3A_105 : memref<512x32xf32, #tpu.memory_space<hbm>>) target_semaphore(%run_scoped3A : memref<!tpu.dma_semaphore, #tpu.memory_space<semaphore_mem>>)
      %dma_wait3A_106 = arith.constant 0 : i32
      %dma_wait3A_107 = tpu.memref_slice %arg4[%mul3A_2, %dma_wait3A_106] : memref<16384x32xf32, #tpu.memory_space<hbm>> -> memref<512x32xf32, #tpu.memory_space<hbm>>
      %dma_wait3A_108 = arith.constant 0 : i32
      %dma_wait3A_109 = tpu.memref_slice %arg4[%mul3A_2, %dma_wait3A_108] : memref<16384x32xf32, #tpu.memory_space<hbm>> -> memref<512x32xf32, #tpu.memory_space<hbm>>
      tpu.wait_dma2 semaphore(%run_scoped3A : memref<!tpu.dma_semaphore, #tpu.memory_space<semaphore_mem>>) src(%arg6 : memref<512x32xf32, #tpu.memory_space<vmem>>) dst(%dma_wait3A_109 : memref<512x32xf32, #tpu.memory_space<hbm>>)
      tpu.yield
    }) : () -> ()
    return
  }
}

</mosaic_0001>

<sc_bundles>
// kernel: kernel.3.cloned.1.call-start
scs
__scs_entry_jumppad:
0x0: {  	(pc) =	sbr.rel $0x88, $3  }
0x1: {  	(tag) =	ssettag $0x0;
	lr =	simm.s32 $0x1  }
0x2: {  	[smem:$0x3F9F] =	sst lr;
	_ =	strace $0xD0000000  }
0x3: {  	_ = 	snop  }
0x4: {  	_ = 	snop  }
0x5: {  	_ = 	snop  }
0x6: {  	_ = 	snop  }
0x7: {  	_ = 	snop  }
__scs_overlays_trampoline_lowered:
0x8: {  	[smem:$0x3FAE] =	sst s0  }
0x9: {  	[smem:$0x3FAF] =	sst s1  }
0xa: {  	[smem:$0x3FB0] =	sst s2  }
0xb: {  	[smem:$0x3FB1] =	sst s3  }
0xc: {  	[smem:$0x3FB2] =	sst s4  }
0xd: {  	[smem:$0x3FB3] =	sst s5  }
0xe: {  	[smem:$0x3FB4] =	sst s6  }
0xf: {  	[smem:$0x3FB5] =	sst s7  }
0x10: {  	[smem:$0x3FB6] =	sst s8  }
0x11: {  	[smem:$0x3FB7] =	sst s9;
	s0 =	simm.s32 @!p0 $0x0  }
0x12: {  	s1 =	sld [smem:$0x3F9D];
	s0 =	simm.s32 @p0 $0x1  }
0x13: {  	[smem:$0x3FB8] =	sst s0;
	s0 =	simm.s32 @!p1 $0x0  }
0x14: {  	s2 =	sld [smem:$0x3F9C];
	s0 =	simm.s32 @p1 $0x1  }
0x15: {  	[smem:$0x3FB9] =	sst s0;
	s0 =	simm.s32 @!p2 $0x0  }
0x16: {  	s3 =	sld [smem:$0x3FDB];
	s0 =	simm.s32 @p2 $0x1  }
0x17: {  	s4 =	simm.s32 $0x1BF5;
	[smem:$0x3FBB] =	sst s0  }
0x18: {  	s0 =	sld [smem:$0x3F9E];
	_ =	swait.ge [sflag:s4], $0x0  }
0x19: {  	s7 =	sld [smem:$0x3F9F]  }
0x1a: {  	s8 =	sadd.s32 $0xFFFFE003, lr  }
0x1b: {  	s9 =	sadd.s32 $0xFFFFFEF7, lr;
	s5 =	simm.s32 $0xFFFFFFFF;
	p2 =	slt.u32 s8, $0xFFFFF086  }
0x1c: {  	p1 =	slt.u32 s9, $0xF7A;
	s5 =	simm.s32 @!p2 $0x0  }
0x1d: {  	s5 =	simm.s32 @p1 $0x1;
	p0 =	seq.s32 s7, s2  }
0x1e: {  	s7 =	smul.u32 @!p0 $0xF7A, s2;
	p2 =	seq.s32 @!p0 s5, $0x0  }
0x1f: {  	s9 =	smul.u32 $0xF7A, s1;
	s8 =	simm.s32 @!p0 $0x1BF5;
	p2 =	por !p2, p0  }
0x20: {  	[sflag:s8] =	ssyncset.s32 @!p0 $0xFFFFF086;
	s6 =	sadd.s32 @!p0 s3, s7;
	s7 =	simm.s32 @!p0 $0x108  }
0x21: {  	s3 =	sadd.s32 s3, s9;
	s6 =	sadd.s32 @!p0 $0x88, s6;
	s7 =	simm.s32 @p2 $0x1082  }
0x22: {  	[simem:s7], [sflag:s8] =	dma.local @!p0 [hbm:s6], $0xF7A  }
0x23: {  	s9 =	sor.u32 $0xD0000000, s2;
	s6 =	simm.s32 $0x108;
	_ =	swait.ge @!p0 [sflag:s8], $0x0  }
0x24: {  	s3 =	sadd.s32 $0x88, s3;
	s6 =	simm.s32 @!p1 $0x1082;
	[sflag:s4] =	ssyncset.s32 $0xFFFFF086  }
0x25: {  	[simem:s6], [sflag:s4] =	dma.local [hbm:s3], $0xF7A  }
0x26: {  	[smem:$0x3F9F] =	sst s1;
	(tag) =	ssettag s2;
	_ =	strace s9  }
0x27: {  	s1 =	sld [smem:$0x3FAF]  }
0x28: {  	s2 =	sld [smem:$0x3FB0]  }
0x29: {  	s4 =	sld [smem:$0x3FB2]  }
0x2a: {  	p0 =	seq.s32 s5, $0x0;
	s5 =	sld [smem:$0x3FB3]  }
0x2b: {  	s6 =	sld [smem:$0x3FB4]  }
0x2c: {  	s7 =	sld [smem:$0x3FB5]  }
0x2d: {  	s3 =	simm.s32 $0x108;
	s8 =	sld [smem:$0x3FB6]  }
0x2e: {  	s3 =	simm.s32 @!p0 $0x1082;
	s9 =	sld [smem:$0x3FB7]  }
0x2f: {  	lr =	sadd.s32 s0, s3;
	s0 =	sld [smem:$0x3FAE]  }
0x30: {  	s3 =	sld [smem:$0x3FB1]  }
0x31: {  	[smem:$0x3FBA] =	sst s10  }
0x32: {  	s10 =	sld [smem:$0x3FB8];
	_ =	sdelay $0x3  }
0x33: {  	p0 =	seq.s32 s10, $0x1;
	s10 =	sld [smem:$0x3FBA];
	_ =	sdelay $0x3  }
0x34: {  	[smem:$0x3FBA] =	sst s10  }
0x35: {  	s10 =	sld [smem:$0x3FB9];
	_ =	sdelay $0x3  }
0x36: {  	p1 =	seq.s32 s10, $0x1;
	s10 =	sld [smem:$0x3FBA];
	_ =	sdelay $0x3  }
0x37: {  	[smem:$0x3FBA] =	sst s10  }
0x38: {  	s10 =	sld [smem:$0x3FBB]  }
0x39: {  	_ = 	snop;
	(pc) =	sbr.ind lr, $3  }
0x3a: {  	_ = 	snop  }
0x3b: {  	_ = 	snop  }
0x3c: {  	p2 =	seq.s32 s10, $0x1;
	s10 =	sld [smem:$0x3FBA]  }
0x3d: {  	_ =	shalt  }
0x3e: {  	_ =	shalt  }
0x3f: {  	_ =	shalt  }
0x40: {  	_ =	shalt  }
0x41: {  	_ =	shalt  }
0x42: {  	_ =	shalt  }
0x43: {  	_ =	shalt  }
0x44: {  	_ =	shalt  }
0x45: {  	_ =	shalt  }
0x46: {  	_ =	shalt  }
0x47: {  	_ =	shalt  }
0x48: {  	_ =	shalt  }
0x49: {  	_ =	shalt  }
0x4a: {  	_ =	shalt  }
0x4b: {  	_ =	shalt  }
0x4c: {  	_ =	shalt  }
0x4d: {  	_ =	shalt  }
0x4e: {  	_ =	shalt  }
0x4f: {  	_ =	shalt  }
0x50: {  	_ =	shalt  }
0x51: {  	_ =	shalt  }
0x52: {  	_ =	shalt  }
0x53: {  	_ =	shalt  }
0x54: {  	_ =	shalt  }
0x55: {  	_ =	shalt  }
0x56: {  	_ =	shalt  }
0x57: {  	_ =	shalt  }
0x58: {  	_ =	shalt  }
0x59: {  	_ =	shalt  }
0x5a: {  	_ =	shalt  }
0x5b: {  	_ =	shalt  }
0x5c: {  	_ =	shalt  }
0x5d: {  	_ =	shalt  }
0x5e: {  	_ =	shalt  }
0x5f: {  	_ =	shalt  }
0x60: {  	_ =	shalt  }
0x61: {  	_ =	shalt  }
0x62: {  	_ =	shalt  }
0x63: {  	_ =	shalt  }
0x64: {  	_ =	shalt  }
0x65: {  	_ =	shalt  }
0x66: {  	_ =	shalt  }
0x67: {  	_ =	shalt  }
0x68: {  	_ =	shalt  }
0x69: {  	_ =	shalt  }
0x6a: {  	_ =	shalt  }
0x6b: {  	_ =	shalt  }
0x6c: {  	_ =	shalt  }
0x6d: {  	_ =	shalt  }
0x6e: {  	_ =	shalt  }
0x6f: {  	_ =	shalt  }
0x70: {  	_ =	shalt  }
0x71: {  	_ =	shalt  }
0x72: {  	_ =	shalt  }
0x73: {  	_ =	shalt  }
0x74: {  	_ =	shalt  }
0x75: {  	_ =	shalt  }
0x76: {  	_ =	shalt  }
0x77: {  	_ =	shalt  }
0x78: {  	_ =	shalt  }
0x79: {  	_ =	shalt  }
0x7a: {  	_ =	shalt  }
0x7b: {  	_ =	shalt  }
0x7c: {  	_ =	shalt  }
0x7d: {  	_ =	shalt  }
0x7e: {  	_ =	shalt  }
0x7f: {  	_ =	shalt  }
0x80: {  	_ =	shalt  }
0x81: {  	_ =	shalt  }
0x82: {  	_ =	shalt  }
0x83: {  	_ =	shalt  }
0x84: {  	_ =	shalt  }
0x85: {  	_ =	shalt  }
0x86: {  	_ =	shalt  }
0x87: {  	_ =	shalt  }
.Lfunc_end0:
.L_simem_size_0:
called_computation_lowered:
.L_overlay_start_0:
0x88: {  	s2 =	sld [smem:$0x3FD9]  }
0x89: {  	s3 =	sld [smem:$0x3FFE];
	_ =	sdelay $0x1  }
0x8a: {  	s1 =	srdreg.scid  }
0x8b: {  	s0 =	sand.u32 $0x1, s1  }
0x8c: {  	s17 =	sshll.u32 s0, $0xA;
	s2 =	sadd.s32 s3, s2  }
0x8d: {  	s2 =	sadd.s32 s2, s17  }
0x8e: {  	[smem:$0x3FC6] =	sst s2  }
0x8f: {  	_ = 	snop  }
0x90: {  	s2 =	sld [smem:$0x3FC9];
	(tm) =	ssettm $0x1  }
0x91: {  	s18 =	sld [smem:$0x3FFB];
	_ =	sdelay $0x3  }
0x92: {  	_ =	strace s18  }
0x93: {  	s3 =	sld [smem:$0x3FFC];
	_ =	sdelay $0x3  }
0x94: {  	_ =	strace s3  }
0x95: {  	s3 =	sld [smem:$0x3FFD];
	_ =	sdelay $0x3  }
0x96: {  	_ =	strace s3  }
0x97: {  	_ =	strace $0x8FFFFFFF  }
0x98: {  	s19 =	sld [smem:$0x3FDB];
	_ =	sdelay $0x1  }
0x99: {  	s4 =	simm.s32 $_scs_section_size  }
0x9a: {  	s5 =	simm.s32 $_size__tile_overlayer_lowered;
	s6 =	simm.s32 $_tile_overlayer_lowered  }
0x9b: {  	s22 =	simm.s32 $0x1BFF;
	s21 =	sshll.u32 s6, $0x1;
	s3 =	sadd.s32 s4, s19  }
0x9c: {  	s7 =	simm.s32 $0x0;
	s20 =	sshll.u32 s5, $0x1;
	s5 =	sadd.s32 s21, s3  }
0x9d: {  	[timem:s7], [sflag:s22] =	dma.local [hbm:s5], s20  }
0x9e: {  	_ =	swait.ge [sflag:s22], s20  }
0x9f: {  	s4 =	ssub.s32 $0x0, s20;
	[sflag:s22] =	ssyncset.done $0x0  }
0xa0: {  	[sflag:s22] =	ssyncadd.s32 s4;
	_ =	sdelay $0x1  }
0xa1: {  	s23 =	simm.s32 $0x1B8B  }
0xa2: {  	_ =	swait.ge [sflag:s23], $0x1  }
0xa3: {  	[sflag:s23] =	ssyncset.done $0x0  }
0xa4: {  	s25 =	simm.s32 $0x1B8E;
	s24 =	sld [smem:$0x3FFE];
	[sflag:s23] =	ssyncadd.s32 $0xFFFFFFFF  }
0xa5: {  	s26 =	simm.s32 $execute0_lowered;
	[smem:$0x3FD2] =	sst s25  }
0xa6: {  	s5 =	sshll.u32 s26, $0x1;
	_ =	strace $0x80000046;
	[dreg:$0x1] =	wrdreg $0xFFFFFFFF  }
0xa7: {  	s28 =	simm.s32 $_size_execute0_lowered;
	s3 =	sadd.s32 s3, s5;
	[dreg:$0x0] =	wrdreg $0x0  }
0xa8: {  	s5 =	sshll.u32 s28, $0x1;
	[dreg:$0x2] =	wrdreg s3  }
0xa9: {  	[dreg:$0x3] =	wrdreg s5  }
0xaa: {  	[dreg:$0x4] =	wrdreg $0xC0  }
0xab: {  	_ =	task [dreg:s7], $0x5FFFF  }
0xac: {  	[dreg:$0x1] =	wrdreg $0xFFFFFFFF  }
0xad: {  	[dreg:$0x0] =	wrdreg $0x60  }
0xae: {  	[dreg:$0x2] =	wrdreg s2  }
0xaf: {  	[dreg:$0x3] =	wrdreg s24  }
0xb0: {  	[dreg:$0x4] =	wrdreg $0x9  }
0xb1: {  	_ =	task.clear_ibuf [dreg:s7], $0x5FFFF;
	_ =	strace $0x90000046  }
0xb2: {  	s29 =	simm.s32 $0x9;
	_ =	strace $0x80000048  }
0xb3: {  	_ =	swait.ge [sflag:s29], $0x1  }
0xb4: {  	[sflag:s29] =	ssyncadd.s32 $0xFFFFFFFF  }
0xb5: {  	_ =	strace $0x90000048  }
0xb6: {  	_ =	sfence  }
0xb7: {  	s30 =	sld [smem:$0x0];
	_ =	sdelay $0x2  }
0xb8: {  	s31 =	sshll.u32 s1, $0xD;
	s1 =	sshrl.u32 s1, $0x2  }
0xb9: {  	s3 =	sand.u32 $0x4000, s31;
	s1 =	sadd.s32 s1, s30  }
0xba: {  	s0 =	sor.u32 s3, s0;
	s1 =	sshll.u32 s1, $0x11  }
0xbb: {  	s0 =	sor.u32 s1, s0  }
0xbc: {  	s0 =	sadd.s32 $0x8F2B, s0  }
0xbd: {  	[sflag:s0] =	ssyncadd.remote.s32 $0x1  }
0xbe: {  	_ =	sfence.sel $0xFFFF  }
0xbf: {  	[dreg:$0x0] =	wrdreg $0xFFFFFFFF;
	(pc) =	sbr.abs _section_cstart, $3  }
0xc0: {  	[dreg:$0x1] =	wrdreg $0xFFFFFFFF  }
0xc1: {  	_ =	task.clear_ibuf [dreg:s7], $0x2FFFF;
	_ =	strace $0x9FFFFFFF  }
0xc2: {  	(tm) =	ssettm $0x7FFFFFFF  }
0xc3: {  	_ =	shalt  }
tec
execute0_lowered:
.L_overlay_start_1:
0x0: {  	(tag) =	ssettag $0x1  }
0x1: {  	s4 =	rddreg [dreg:$0x0]  }
0x2: {  	s5 =	rddreg [dreg:$0x1];
	s3 =	srdreg.scid  }
0x3: {  	s2 =	simm.s32 $0x0;
	s0 =	stileid.u32;
	s9 =	simm.s32 $0x2  }
0x4: {  	s10 =	simm.s32 $0x3;
	s11 =	simm.s32 $0x4;
	s12 =	simm.s32 $0x5  }
0x5: {  	s13 =	simm.s32 $0x6;
	s14 =	simm.s32 $0x7;
	s6 =	sand.u32 $0x1, s3  }
0x6: {  	[smem:$0x7FF] =	sst s2;
	s26 =	sshll.u32 s0, $0xA;
	s7 =	sshll.u32 s6, $0x9  }
0x7: {  	s3 =	sadd.s32 $0x400, s5;
	s6 =	ssub.s32 $0x2, s6;
	s7 =	sor.u32 s7, s26  }
0x8: {  	s28 =	sshrl.u32 s6, $0x1;
	s8 =	sshll.u32 s7, $0x4;
	s7 =	sshrl.u32 s7, $0x3  }
0x9: {  	_ =	strace $0x80000047;
	s6 =	ssub.s32 s6, s28;
	s29 =	sadd.s32 s4, s7  }
0xa: {  	s5 =	sadd.s32 s8, s5;
	s31 =	smax.u32 s6, $0x1;
	[dreg:$0x3] =	wrdreg s29  }
0xb: {  	s15 =	simm.s32 $0x8;
	s30 =	sadd.s32 $0xF42800, s5;
	[dreg:$0x5] =	wrdreg s31  }
0xc: {  	s17 =	simm.s32 $0x0;
	s7 =	simm.s32 $0x9;
	[dreg:$0x4] =	wrdreg s30  }
.LBB2_1:
0xd: {  	s0 =	rddreg [dreg:$0x3]  }
0xe: {  	[tilespmem:s2], [sflag:$0x9] =	stream.linear.gather [hbm4b:s0+s2], $0x200, $0x38;
	[tilespmem:$0x10200] =	vst v63  }
0xf: {  	_ =	swait.ge [sflag:s7], $0x200  }
0x10: {  	[sflag:s7] =	ssyncset.done $0x0  }
0x11: {  	s18 =	simm.s32 $0x10;
	[sflag:s7] =	ssyncadd.s32 $0xFFFFFE00  }
0x12: {  	v0 =	vld [tilespmem:s18+$0xFFFFFFF0];
	_ =	sdelay $0x4  }
0x13: {  	v0 =	vshll.u32 v0, $0x4  }
0x14: {  	(v2sf) =	vpush v0, $0x0  }
0x15: {  	(v2sf) =	vpush v0, $0x1  }
0x16: {  	(v2sf) =	vpush v0, $0x2;
	_ =	sdelay $0x1  }
0x17: {  	(v2sf) =	vpush v0, $0x3;
	_ =	sdelay $0x1  }
0x18: {  	(v2sf) =	vpush v0, $0x4;
	_ =	sdelay $0x1  }
0x19: {  	(v2sf) =	vpush v0, $0x5;
	_ =	sdelay $0x1  }
0x1a: {  	(v2sf) =	vpush v0, $0x6  }
0x1b: {  	s20 =	simm.s32 $0x800;
	s19 =	simm.s32 $0x880  }
0x1c: {  	s23 =	simm.s32 $0x680;
	s22 =	simm.s32 $0x700;
	s21 =	simm.s32 $0x780;
	(v2sf) =	vpush v0, $0x7  }
0x1d: {  	s24 =	simm.s32 $0x500;
	s25 =	simm.s32 $0x580;
	s26 =	simm.s32 $0x600  }
0x1e: {  	s28 =	simm.s32 $0x380;
	s29 =	simm.s32 $0x400;
	s30 =	simm.s32 $0x480;
	(v2sf) =	vpush v0, $0x8  }
0x1f: {  	s31 =	simm.s32 $0x280;
	s16 =	simm.s32 $0x200;
	s1 =	spop (v2sf)  }
0x20: {  	s0 =	simm.s32 $0x300;
	s1 =	sand.u32 $0x1FFFFFF0, s1;
	s4 =	spop (v2sf);
	(v2sf) =	vpush v0, $0x9  }
0x21: {  	s1 =	sadd.s32 s3, s1;
	s4 =	sand.u32 $0x1FFFFFF0, s4;
	s5 =	spop (v2sf)  }
0x22: {  	(v2sf) =	vpush v0, $0xA;
	[tilespmem:s16], [sflag:$0x1] =	stream.linear.gather [hbm4b:s1+s2], $0x80, $0x38;
	[tilespmem:$0x10200] =	vst v63  }
0x23: {  	s6 =	sadd.s32 s3, s4;
	s8 =	sand.u32 $0x1FFFFFF0, s5;
	s16 =	spop (v2sf)  }
0x24: {  	(v2sf) =	vpush v0, $0xB;
	[tilespmem:s31], [sflag:$0x2] =	stream.linear.gather [hbm4b:s6+s2], $0x80, $0x38;
	[tilespmem:$0x10200] =	vst v63  }
0x25: {  	s4 =	sadd.s32 s3, s8;
	s5 =	sand.u32 $0x1FFFFFF0, s16;
	s6 =	spop (v2sf)  }
0x26: {  	(v2sf) =	vpush v0, $0xC;
	[tilespmem:s0], [sflag:$0x3] =	stream.linear.gather [hbm4b:s4+s2], $0x80, $0x38;
	[tilespmem:$0x10200] =	vst v63  }
0x27: {  	s8 =	sadd.s32 s3, s5;
	s16 =	sand.u32 $0x1FFFFFF0, s6;
	s31 =	spop (v2sf)  }
0x28: {  	(v2sf) =	vpush v0, $0xD;
	[tilespmem:s28], [sflag:$0x4] =	stream.linear.gather [hbm4b:s8+s2], $0x80, $0x38;
	[tilespmem:$0x10200] =	vst v63  }
0x29: {  	s1 =	sadd.s32 s3, s16;
	s5 =	sand.u32 $0x1FFFFFF0, s31;
	s6 =	spop (v2sf)  }
0x2a: {  	(v2sf) =	vpush v0, $0xE;
	[tilespmem:s29], [sflag:$0x5] =	stream.linear.gather [hbm4b:s1+s2], $0x80, $0x38;
	[tilespmem:$0x10200] =	vst v63  }
0x2b: {  	s16 =	sand.u32 $0x1FFFFFF0, s6;
	s8 =	sadd.s32 s3, s5;
	s28 =	spop (v2sf)  }
0x2c: {  	(v2sf) =	vpush v0, $0xF;
	[tilespmem:s30], [sflag:$0x6] =	stream.linear.gather [hbm4b:s8+s2], $0x80, $0x38;
	[tilespmem:$0x10200] =	vst v63  }
0x2d: {  	s31 =	spop (v2sf);
	s29 =	sadd.s32 s3, s16;
	s30 =	sand.u32 $0x1FFFFFF0, s28  }
0x2e: {  	[tilespmem:s24], [sflag:$0x7] =	stream.linear.gather [hbm4b:s29+s2], $0x80, $0x38;
	[tilespmem:$0x10200] =	vst v63  }
0x2f: {  	s5 =	sand.u32 $0x1FFFFFF0, s31;
	s1 =	sadd.s32 s3, s30;
	s6 =	spop (v2sf)  }
0x30: {  	[tilespmem:s25], [sflag:$0x8] =	stream.linear.gather [hbm4b:s1+s2], $0x80, $0x38;
	[tilespmem:$0x10200] =	vst v63  }
0x31: {  	s8 =	sadd.s32 s3, s5;
	s16 =	sand.u32 $0x1FFFFFF0, s6;
	s24 =	spop (v2sf)  }
0x32: {  	[tilespmem:s26], [sflag:$0x1] =	stream.linear.gather [hbm4b:s8+s2], $0x80, $0x38;
	[tilespmem:$0x10200] =	vst v63  }
0x33: {  	s25 =	sadd.s32 s3, s16;
	s28 =	spop (v2sf);
	s26 =	sand.u32 $0x1FFFFFF0, s24  }
0x34: {  	[tilespmem:s23], [sflag:$0x2] =	stream.linear.gather [hbm4b:s25+s2], $0x80, $0x38;
	[tilespmem:$0x10200] =	vst v63  }
0x35: {  	s30 =	sand.u32 $0x1FFFFFF0, s28;
	s29 =	sadd.s32 s3, s26;
	s31 =	spop (v2sf)  }
0x36: {  	[tilespmem:s22], [sflag:$0x3] =	stream.linear.gather [hbm4b:s29+s2], $0x80, $0x38;
	[tilespmem:$0x10200] =	vst v63  }
0x37: {  	s1 =	sadd.s32 s3, s30;
	s4 =	sand.u32 $0x1FFFFFF0, s31;
	s5 =	spop (v2sf)  }
0x38: {  	[tilespmem:s21], [sflag:$0x4] =	stream.linear.gather [hbm4b:s1+s2], $0x80, $0x38;
	[tilespmem:$0x10200] =	vst v63  }
0x39: {  	s6 =	sadd.s32 s3, s4;
	s8 =	sand.u32 $0x1FFFFFF0, s5;
	s16 =	spop (v2sf)  }
0x3a: {  	[tilespmem:s20], [sflag:$0x5] =	stream.linear.gather [hbm4b:s6+s2], $0x80, $0x38;
	[tilespmem:$0x10200] =	vst v63  }
0x3b: {  	s22 =	spop (v2sf);
	s21 =	sand.u32 $0x1FFFFFF0, s16;
	s20 =	sadd.s32 s3, s8  }
0x3c: {  	[tilespmem:s19], [sflag:$0x6] =	stream.linear.gather [hbm4b:s20+s2], $0x80, $0x38;
	[tilespmem:$0x10200] =	vst v63  }
0x3d: {  	s23 =	simm.s32 $0x900;
	s4 =	sand.u32 $0x1FFFFFF0, s22;
	s1 =	sadd.s32 s3, s21  }
0x3e: {  	[tilespmem:s23], [sflag:$0x7] =	stream.linear.gather [hbm4b:s1+s2], $0x80, $0x38;
	[tilespmem:$0x10200] =	vst v63  }
0x3f: {  	s24 =	simm.s32 $0x980;
	s25 =	sadd.s32 s3, s4  }
0x40: {  	[tilespmem:s24], [sflag:$0x8] =	stream.linear.gather [hbm4b:s25+s2], $0x80, $0x38;
	[tilespmem:$0x10200] =	vst v63  }
0x41: {  	v63 =	vld [tilespmem:s18+$0x0];
	_ =	sdelay $0x4  }
0x42: {  	v0 =	vshll.u32 v63, $0x4  }
0x43: {  	(v2sf) =	vpush v0, $0x0  }
0x44: {  	(v2sf) =	vpush v0, $0x1  }
0x45: {  	(v2sf) =	vpush v0, $0x2;
	_ =	sdelay $0x1  }
0x46: {  	(v2sf) =	vpush v0, $0x3;
	_ =	sdelay $0x1  }
0x47: {  	(v2sf) =	vpush v0, $0x4;
	_ =	sdelay $0x1  }
0x48: {  	(v2sf) =	vpush v0, $0x5;
	_ =	sdelay $0x1  }
0x49: {  	(v2sf) =	vpush v0, $0x6;
	_ =	sdelay $0x1  }
0x4a: {  	s26 =	simm.s32 $0xA00;
	(v2sf) =	vpush v0, $0x7  }
0x4b: {  	s31 =	simm.s32 $0xA80;
	s5 =	simm.s32 $0xE80;
	s16 =	simm.s32 $0xC00  }
0x4c: {  	s22 =	simm.s32 $0xD00;
	s4 =	simm.s32 $0xE00;
	s21 =	simm.s32 $0xC80;
	(v2sf) =	vpush v0, $0x8  }
0x4d: {  	s20 =	simm.s32 $0xF00;
	s23 =	simm.s32 $0xB00;
	s30 =	spop (v2sf)  }
0x4e: {  	s24 =	simm.s32 $0xB80;
	(v2sf) =	vpush v0, $0x9;
	s25 =	sand.u32 $0x1FFFFFF0, s30;
	s6 =	spop (v2sf)  }
0x4f: {  	(v2sf) =	vpush v0, $0xA;
	s25 =	sadd.s32 s3, s25;
	s28 =	sand.u32 $0x1FFFFFF0, s6;
	s8 =	spop (v2sf)  }
0x50: {  	[tilespmem:s26], [sflag:$0x1] =	stream.linear.gather [hbm4b:s25+s2], $0x80, $0x38;
	[tilespmem:$0x10200] =	vst v63  }
0x51: {  	(v2sf) =	vpush v0, $0xB;
	s25 =	sadd.s32 s3, s28;
	s29 =	sand.u32 $0x1FFFFFF0, s8;
	s30 =	spop (v2sf)  }
0x52: {  	[tilespmem:s31], [sflag:$0x2] =	stream.linear.gather [hbm4b:s25+s2], $0x80, $0x38;
	[tilespmem:$0x10200] =	vst v63  }
0x53: {  	s6 =	sand.u32 $0x1FFFFFF0, s30;
	s8 =	spop (v2sf);
	s31 =	sadd.s32 s3, s29  }
0x54: {  	(v2sf) =	vpush v0, $0xC;
	[tilespmem:s23], [sflag:$0x3] =	stream.linear.gather [hbm4b:s31+s2], $0x80, $0x38;
	[tilespmem:$0x10200] =	vst v63  }
0x55: {  	(v2sf) =	vpush v0, $0xD;
	s25 =	sand.u32 $0x1FFFFFF0, s8;
	s26 =	spop (v2sf);
	s23 =	sadd.s32 s3, s6  }
0x56: {  	[tilespmem:s24], [sflag:$0x4] =	stream.linear.gather [hbm4b:s23+s2], $0x80, $0x38;
	[tilespmem:$0x10200] =	vst v63  }
0x57: {  	s28 =	sadd.s32 s3, s25;
	s29 =	sand.u32 $0x1FFFFFF0, s26;
	s30 =	spop (v2sf)  }
0x58: {  	[tilespmem:s16], [sflag:$0x5] =	stream.linear.gather [hbm4b:s28+s2], $0x80, $0x38;
	[tilespmem:$0x10200] =	vst v63  }
0x59: {  	(v2sf) =	vpush v0, $0xE;
	s31 =	sadd.s32 s3, s29;
	s6 =	sand.u32 $0x1FFFFFF0, s30;
	s8 =	spop (v2sf)  }
0x5a: {  	[tilespmem:s21], [sflag:$0x6] =	stream.linear.gather [hbm4b:s31+s2], $0x80, $0x38;
	[tilespmem:$0x10200] =	vst v63  }
0x5b: {  	s19 =	simm.s32 $0xF80;
	(v2sf) =	vpush v0, $0xF;
	s24 =	spop (v2sf);
	s21 =	sadd.s32 s3, s6  }
0x5c: {  	[tilespmem:s22], [sflag:$0x7] =	stream.linear.gather [hbm4b:s21+s2], $0x80, $0x38;
	[tilespmem:$0x10200] =	vst v63  }
0x5d: {  	s1 =	simm.s32 $0xD80;
	s23 =	sand.u32 $0x1FFFFFF0, s8;
	s28 =	spop (v2sf)  }
0x5e: {  	s18 =	simm.s32 $0x1000;
	s25 =	sadd.s32 s3, s23;
	s31 =	spop (v2sf)  }
0x5f: {  	[tilespmem:s1], [sflag:$0x8] =	stream.linear.gather [hbm4b:s25+s2], $0x80, $0x38;
	[tilespmem:$0x10200] =	vst v63  }
0x60: {  	s26 =	sand.u32 $0x1FFFFFF0, s24;
	s30 =	sand.u32 $0x1FFFFFF0, s28;
	s6 =	spop (v2sf)  }
0x61: {  	s29 =	sadd.s32 s3, s26;
	s1 =	sadd.s32 s3, s30;
	s16 =	sand.u32 $0x1FFFFFF0, s6  }
0x62: {  	[tilespmem:s4], [sflag:$0x1] =	stream.linear.gather [hbm4b:s29+s2], $0x80, $0x38;
	[tilespmem:$0x10200] =	vst v63  }
0x63: {  	s21 =	spop (v2sf);
	s4 =	sand.u32 $0x1FFFFFF0, s31;
	s22 =	sadd.s32 s3, s16  }
0x64: {  	s23 =	sand.u32 $0x1FFFFFF0, s21;
	s24 =	spop (v2sf);
	s29 =	simm.s32 $0x1080  }
0x65: {  	[tilespmem:s5], [sflag:$0x2] =	stream.linear.gather [hbm4b:s1+s2], $0x80, $0x38;
	[tilespmem:$0x10200] =	vst v63  }
0x66: {  	s31 =	simm.s32 $0x1100;
	s21 =	simm.s32 $0x1180;
	s8 =	sadd.s32 s3, s4  }
0x67: {  	[tilespmem:s20], [sflag:$0x3] =	stream.linear.gather [hbm4b:s8+s2], $0x80, $0x38;
	[tilespmem:$0x10200] =	vst v63  }
0x68: {  	s25 =	sadd.s32 s3, s23;
	s26 =	sand.u32 $0x1FFFFFF0, s24;
	s28 =	spop (v2sf)  }
0x69: {  	[tilespmem:s19], [sflag:$0x4] =	stream.linear.gather [hbm4b:s22+s2], $0x80, $0x38;
	[tilespmem:$0x10200] =	vst v63  }
0x6a: {  	s1 =	sadd.s32 s3, s26;
	s4 =	sand.u32 $0x1FFFFFF0, s28;
	s30 =	spop (v2sf)  }
0x6b: {  	[tilespmem:s18], [sflag:$0x5] =	stream.linear.gather [hbm4b:s25+s2], $0x80, $0x38;
	[tilespmem:$0x10200] =	vst v63  }
0x6c: {  	s4 =	sadd.s32 s3, s4;
	s0 =	sand.u32 $0x1FFFFFF0, s30;
	s20 =	simm.s32 $0x1A00  }
0x6d: {  	[tilespmem:s29], [sflag:$0x6] =	stream.linear.gather [hbm4b:s1+s2], $0x80, $0x38;
	[tilespmem:$0x10200] =	vst v63  }
0x6e: {  	s19 =	simm.s32 $0x30;
	s22 =	sadd.s32 s3, s0;
	s18 =	simm.s32 $0x0  }
0x6f: {  	[tilespmem:s31], [sflag:$0x7] =	stream.linear.gather [hbm4b:s4+s2], $0x80, $0x38;
	[tilespmem:$0x10200] =	vst v63  }
.LBB2_2:
0x70: {  	[tilespmem:s21], [sflag:$0x8] =	stream.linear.gather [hbm4b:s22+s2], $0x80, $0x38;
	[tilespmem:$0x10200] =	vst v63  }
0x71: {  	s18 =	sadd.s32 $0x2, s18  }
0x72: {  	p0 =	slt.u32 s18, $0x1E;
	v0 =	vld [tilespmem:s19+$0xFFFFFFF0];
	_ =	sdelay $0x4  }
0x73: {  	v0 =	vshll.u32 v0, $0x4  }
0x74: {  	(v2sf) =	vpush v0, $0x0  }
0x75: {  	(v2sf) =	vpush v0, $0x1  }
0x76: {  	(v2sf) =	vpush v0, $0x2;
	_ =	sdelay $0x1  }
0x77: {  	(v2sf) =	vpush v0, $0x3;
	_ =	sdelay $0x1  }
0x78: {  	(v2sf) =	vpush v0, $0x4;
	_ =	sdelay $0x1  }
0x79: {  	(v2sf) =	vpush v0, $0x5;
	_ =	sdelay $0x1  }
0x7a: {  	(v2sf) =	vpush v0, $0x6  }
0x7b: {  	s22 =	sadd.s32 $0xFFFFFE00, s20;
	s21 =	sadd.s32 $0xFFFFFE80, s20  }
0x7c: {  	s25 =	sadd.s32 $0xFFFFFC80, s20;
	s24 =	sadd.s32 $0xFFFFFD00, s20;
	s23 =	sadd.s32 $0xFFFFFD80, s20;
	(v2sf) =	vpush v0, $0x7  }
0x7d: {  	s29 =	sadd.s32 $0xFFFFFB00, s20;
	s28 =	sadd.s32 $0xFFFFFB80, s20;
	s26 =	sadd.s32 $0xFFFFFC00, s20  }
0x7e: {  	s0 =	sadd.s32 $0xFFFFF980, s20;
	s1 =	sadd.s32 $0xFFFFFA00, s20;
	s4 =	sadd.s32 $0xFFFFFA80, s20;
	(v2sf) =	vpush v0, $0x8  }
0x7f: {  	s5 =	sadd.s32 $0xFFFFF880, s20;
	s16 =	sadd.s32 $0xFFFFF900, s20;
	s30 =	spop (v2sf)  }
0x80: {  	s31 =	sadd.s32 $0xFFFFF800, s20;
	s30 =	sand.u32 $0x1FFFFFF0, s30;
	s6 =	spop (v2sf);
	(v2sf) =	vpush v0, $0x9  }
0x81: {  	s30 =	sadd.s32 s3, s30;
	s6 =	sand.u32 $0x1FFFFFF0, s6;
	s8 =	spop (v2sf)  }
0x82: {  	[tilespmem:s31], [sflag:$0x1] =	stream.linear.gather [hbm4b:s30+s2], $0x80, $0x38;
	(v2sf) =	vpush v0, $0xA;
	[tilespmem:$0x10200] =	vst v63  }
0x83: {  	s6 =	sadd.s32 s3, s6;
	s8 =	sand.u32 $0x1FFFFFF0, s8;
	s30 =	spop (v2sf)  }
0x84: {  	[tilespmem:s5], [sflag:$0x2] =	stream.linear.gather [hbm4b:s6+s2], $0x80, $0x38;
	(v2sf) =	vpush v0, $0xB;
	[tilespmem:$0x10200] =	vst v63  }
0x85: {  	s5 =	sadd.s32 s3, s8;
	s6 =	sand.u32 $0x1FFFFFF0, s30;
	s8 =	spop (v2sf)  }
0x86: {  	[tilespmem:s16], [sflag:$0x3] =	stream.linear.gather [hbm4b:s5+s2], $0x80, $0x38;
	(v2sf) =	vpush v0, $0xC;
	[tilespmem:$0x10200] =	vst v63  }
0x87: {  	s5 =	sadd.s32 s3, s6;
	s6 =	sand.u32 $0x1FFFFFF0, s8;
	s8 =	spop (v2sf)  }
0x88: {  	[tilespmem:s0], [sflag:$0x4] =	stream.linear.gather [hbm4b:s5+s2], $0x80, $0x38;
	(v2sf) =	vpush v0, $0xD;
	[tilespmem:$0x10200] =	vst v63  }
0x89: {  	s0 =	sadd.s32 s3, s6;
	s5 =	sand.u32 $0x1FFFFFF0, s8;
	s6 =	spop (v2sf)  }
0x8a: {  	[tilespmem:s1], [sflag:$0x5] =	stream.linear.gather [hbm4b:s0+s2], $0x80, $0x38;
	(v2sf) =	vpush v0, $0xE;
	[tilespmem:$0x10200] =	vst v63  }
0x8b: {  	s0 =	sadd.s32 s3, s5;
	s1 =	sand.u32 $0x1FFFFFF0, s6;
	s5 =	spop (v2sf)  }
0x8c: {  	[tilespmem:s4], [sflag:$0x6] =	stream.linear.gather [hbm4b:s0+s2], $0x80, $0x38;
	(v2sf) =	vpush v0, $0xF;
	[tilespmem:$0x10200] =	vst v63  }
0x8d: {  	s0 =	sadd.s32 s3, s1;
	s1 =	sand.u32 $0x1FFFFFF0, s5;
	s4 =	spop (v2sf)  }
0x8e: {  	[tilespmem:s29], [sflag:$0x7] =	stream.linear.gather [hbm4b:s0+s2], $0x80, $0x38;
	[tilespmem:$0x10200] =	vst v63  }
0x8f: {  	s0 =	sadd.s32 s3, s1;
	s1 =	sand.u32 $0x1FFFFFF0, s4;
	s4 =	spop (v2sf)  }
0x90: {  	[tilespmem:s28], [sflag:$0x8] =	stream.linear.gather [hbm4b:s0+s2], $0x80, $0x38;
	[tilespmem:$0x10200] =	vst v63  }
0x91: {  	s0 =	sadd.s32 s3, s1;
	s1 =	sand.u32 $0x1FFFFFF0, s4;
	s4 =	spop (v2sf)  }
0x92: {  	[tilespmem:s26], [sflag:$0x1] =	stream.linear.gather [hbm4b:s0+s2], $0x80, $0x38;
	[tilespmem:$0x10200] =	vst v63  }
0x93: {  	s0 =	sadd.s32 s3, s1;
	s1 =	sand.u32 $0x1FFFFFF0, s4;
	s4 =	spop (v2sf)  }
0x94: {  	[tilespmem:s25], [sflag:$0x2] =	stream.linear.gather [hbm4b:s0+s2], $0x80, $0x38;
	[tilespmem:$0x10200] =	vst v63  }
0x95: {  	s0 =	sadd.s32 s3, s1;
	s1 =	sand.u32 $0x1FFFFFF0, s4;
	s4 =	spop (v2sf)  }
0x96: {  	[tilespmem:s24], [sflag:$0x3] =	stream.linear.gather [hbm4b:s0+s2], $0x80, $0x38;
	[tilespmem:$0x10200] =	vst v63  }
0x97: {  	s0 =	sadd.s32 s3, s1;
	s1 =	sand.u32 $0x1FFFFFF0, s4;
	s4 =	spop (v2sf)  }
0x98: {  	[tilespmem:s23], [sflag:$0x4] =	stream.linear.gather [hbm4b:s0+s2], $0x80, $0x38;
	[tilespmem:$0x10200] =	vst v63  }
0x99: {  	s0 =	sadd.s32 s3, s1;
	s1 =	sand.u32 $0x1FFFFFF0, s4;
	s4 =	spop (v2sf)  }
0x9a: {  	[tilespmem:s22], [sflag:$0x5] =	stream.linear.gather [hbm4b:s0+s2], $0x80, $0x38;
	[tilespmem:$0x10200] =	vst v63  }
0x9b: {  	s0 =	sadd.s32 s3, s1;
	s1 =	sand.u32 $0x1FFFFFF0, s4;
	s4 =	spop (v2sf)  }
0x9c: {  	[tilespmem:s21], [sflag:$0x6] =	stream.linear.gather [hbm4b:s0+s2], $0x80, $0x38;
	[tilespmem:$0x10200] =	vst v63  }
0x9d: {  	s1 =	sadd.s32 s3, s1;
	s0 =	sadd.s32 $0xFFFFFF00, s20;
	s4 =	sand.u32 $0x1FFFFFF0, s4  }
0x9e: {  	[tilespmem:s0], [sflag:$0x7] =	stream.linear.gather [hbm4b:s1+s2], $0x80, $0x38;
	[tilespmem:$0x10200] =	vst v63  }
0x9f: {  	s0 =	sadd.s32 $0xFFFFFF80, s20;
	s1 =	sadd.s32 s3, s4  }
0xa0: {  	[tilespmem:s0], [sflag:$0x8] =	stream.linear.gather [hbm4b:s1+s2], $0x80, $0x38;
	[tilespmem:$0x10200] =	vst v63  }
0xa1: {  	v0 =	vld [tilespmem:s19+$0x0];
	_ =	sdelay $0x4  }
0xa2: {  	v0 =	vshll.u32 v0, $0x4  }
0xa3: {  	(v2sf) =	vpush v0, $0x0  }
0xa4: {  	(v2sf) =	vpush v0, $0x1  }
0xa5: {  	(v2sf) =	vpush v0, $0x2;
	_ =	sdelay $0x1  }
0xa6: {  	(v2sf) =	vpush v0, $0x3;
	_ =	sdelay $0x1  }
0xa7: {  	(v2sf) =	vpush v0, $0x4;
	_ =	sdelay $0x1  }
0xa8: {  	(v2sf) =	vpush v0, $0x5;
	_ =	sdelay $0x1  }
0xa9: {  	(v2sf) =	vpush v0, $0x6  }
0xaa: {  	s21 =	sadd.s32 $0x680, s20;
	s19 =	sadd.s32 $0x20, s19  }
0xab: {  	s24 =	sadd.s32 $0x500, s20;
	s23 =	sadd.s32 $0x580, s20;
	s22 =	sadd.s32 $0x600, s20;
	(v2sf) =	vpush v0, $0x7  }
0xac: {  	s28 =	sadd.s32 $0x380, s20;
	s26 =	sadd.s32 $0x400, s20;
	s25 =	sadd.s32 $0x480, s20  }
0xad: {  	s4 =	sadd.s32 $0x300, s20;
	s0 =	sadd.s32 $0x200, s20;
	s1 =	sadd.s32 $0x280, s20;
	(v2sf) =	vpush v0, $0x8  }
0xae: {  	s6 =	sadd.s32 $0x180, s20;
	s5 =	sadd.s32 $0x100, s20;
	s8 =	spop (v2sf)  }
0xaf: {  	s16 =	sadd.s32 $0x80, s20;
	s8 =	sand.u32 $0x1FFFFFF0, s8;
	s29 =	spop (v2sf);
	(v2sf) =	vpush v0, $0x9  }
0xb0: {  	s8 =	sadd.s32 s3, s8;
	s29 =	sand.u32 $0x1FFFFFF0, s29;
	s30 =	spop (v2sf)  }
0xb1: {  	[tilespmem:s20], [sflag:$0x1] =	stream.linear.gather [hbm4b:s8+s2], $0x80, $0x38;
	(v2sf) =	vpush v0, $0xA;
	[tilespmem:$0x10200] =	vst v63  }
0xb2: {  	s8 =	sadd.s32 s3, s29;
	s29 =	sand.u32 $0x1FFFFFF0, s30;
	s30 =	spop (v2sf)  }
0xb3: {  	[tilespmem:s16], [sflag:$0x2] =	stream.linear.gather [hbm4b:s8+s2], $0x80, $0x38;
	(v2sf) =	vpush v0, $0xB;
	[tilespmem:$0x10200] =	vst v63  }
0xb4: {  	s8 =	sadd.s32 s3, s29;
	s16 =	sand.u32 $0x1FFFFFF0, s30;
	s29 =	spop (v2sf)  }
0xb5: {  	[tilespmem:s5], [sflag:$0x3] =	stream.linear.gather [hbm4b:s8+s2], $0x80, $0x38;
	(v2sf) =	vpush v0, $0xC;
	[tilespmem:$0x10200] =	vst v63  }
0xb6: {  	s5 =	sadd.s32 s3, s16;
	s8 =	sand.u32 $0x1FFFFFF0, s29;
	s16 =	spop (v2sf)  }
0xb7: {  	[tilespmem:s6], [sflag:$0x4] =	stream.linear.gather [hbm4b:s5+s2], $0x80, $0x38;
	(v2sf) =	vpush v0, $0xD;
	[tilespmem:$0x10200] =	vst v63  }
0xb8: {  	s5 =	sadd.s32 s3, s8;
	s6 =	sand.u32 $0x1FFFFFF0, s16;
	s8 =	spop (v2sf)  }
0xb9: {  	[tilespmem:s0], [sflag:$0x5] =	stream.linear.gather [hbm4b:s5+s2], $0x80, $0x38;
	(v2sf) =	vpush v0, $0xE;
	[tilespmem:$0x10200] =	vst v63  }
0xba: {  	s0 =	sadd.s32 s3, s6;
	s5 =	sand.u32 $0x1FFFFFF0, s8;
	s6 =	spop (v2sf)  }
0xbb: {  	[tilespmem:s1], [sflag:$0x6] =	stream.linear.gather [hbm4b:s0+s2], $0x80, $0x38;
	(v2sf) =	vpush v0, $0xF;
	[tilespmem:$0x10200] =	vst v63  }
0xbc: {  	s0 =	sadd.s32 s3, s5;
	s1 =	sand.u32 $0x1FFFFFF0, s6;
	s5 =	spop (v2sf)  }
0xbd: {  	[tilespmem:s4], [sflag:$0x7] =	stream.linear.gather [hbm4b:s0+s2], $0x80, $0x38;
	[tilespmem:$0x10200] =	vst v63  }
0xbe: {  	s0 =	sadd.s32 s3, s1;
	s1 =	sand.u32 $0x1FFFFFF0, s5;
	s4 =	spop (v2sf)  }
0xbf: {  	[tilespmem:s28], [sflag:$0x8] =	stream.linear.gather [hbm4b:s0+s2], $0x80, $0x38;
	[tilespmem:$0x10200] =	vst v63  }
0xc0: {  	s0 =	sadd.s32 s3, s1;
	s1 =	sand.u32 $0x1FFFFFF0, s4;
	s4 =	spop (v2sf)  }
0xc1: {  	[tilespmem:s26], [sflag:$0x1] =	stream.linear.gather [hbm4b:s0+s2], $0x80, $0x38;
	[tilespmem:$0x10200] =	vst v63  }
0xc2: {  	s0 =	sadd.s32 s3, s1;
	s1 =	sand.u32 $0x1FFFFFF0, s4;
	s4 =	spop (v2sf)  }
0xc3: {  	[tilespmem:s25], [sflag:$0x2] =	stream.linear.gather [hbm4b:s0+s2], $0x80, $0x38;
	[tilespmem:$0x10200] =	vst v63  }
0xc4: {  	s0 =	sadd.s32 s3, s1;
	s1 =	sand.u32 $0x1FFFFFF0, s4;
	s4 =	spop (v2sf)  }
0xc5: {  	[tilespmem:s24], [sflag:$0x3] =	stream.linear.gather [hbm4b:s0+s2], $0x80, $0x38;
	[tilespmem:$0x10200] =	vst v63  }
0xc6: {  	s0 =	sadd.s32 s3, s1;
	s1 =	sand.u32 $0x1FFFFFF0, s4;
	s4 =	spop (v2sf)  }
0xc7: {  	[tilespmem:s23], [sflag:$0x4] =	stream.linear.gather [hbm4b:s0+s2], $0x80, $0x38;
	[tilespmem:$0x10200] =	vst v63  }
0xc8: {  	s0 =	sadd.s32 s3, s1;
	s1 =	sand.u32 $0x1FFFFFF0, s4;
	s4 =	spop (v2sf)  }
0xc9: {  	[tilespmem:s22], [sflag:$0x5] =	stream.linear.gather [hbm4b:s0+s2], $0x80, $0x38;
	[tilespmem:$0x10200] =	vst v63  }
0xca: {  	s0 =	sadd.s32 s3, s1  }
.Ltmp0:
0xcb: {  	s1 =	sand.u32 $0x1FFFFFF0, s4;
	s4 =	spop (v2sf);
	(pc) =	sbr.rel @p0 .LBB2_2-.Ltmp0, $4  }
0xcc: {  	[tilespmem:s21], [sflag:$0x6] =	stream.linear.gather [hbm4b:s0+s2], $0x80, $0x38;
	[tilespmem:$0x10200] =	vst v63  }
0xcd: {  	s1 =	sadd.s32 s3, s1;
	s0 =	sadd.s32 $0x700, s20;
	s4 =	sand.u32 $0x1FFFFFF0, s4  }
0xce: {  	[tilespmem:s0], [sflag:$0x7] =	stream.linear.gather [hbm4b:s1+s2], $0x80, $0x38;
	[tilespmem:$0x10200] =	vst v63  }
0xcf: {  	s21 =	sadd.s32 $0x780, s20;
	s20 =	sadd.s32 $0x1000, s20;
	s22 =	sadd.s32 s3, s4  }
0xd0: {  	[tilespmem:s21], [sflag:$0x8] =	stream.linear.gather [hbm4b:s22+s2], $0x80, $0x38;
	[tilespmem:$0x10200] =	vst v63  }
0xd1: {  	s0 =	simm.s32 $0x1  }
0xd2: {  	_ =	swait.ge [sflag:s0], $0x2000  }
0xd3: {  	[sflag:s0] =	ssyncset.done $0x0  }
0xd4: {  	[sflag:s0] =	ssyncadd.s32 $0xFFFFE000  }
0xd5: {  	_ =	swait.ge [sflag:s9], $0x2000  }
0xd6: {  	[sflag:s9] =	ssyncset.done $0x0  }
0xd7: {  	[sflag:s9] =	ssyncadd.s32 $0xFFFFE000  }
0xd8: {  	_ =	swait.ge [sflag:s10], $0x2000  }
0xd9: {  	[sflag:s10] =	ssyncset.done $0x0  }
0xda: {  	[sflag:s10] =	ssyncadd.s32 $0xFFFFE000  }
0xdb: {  	_ =	swait.ge [sflag:s11], $0x2000  }
0xdc: {  	[sflag:s11] =	ssyncset.done $0x0  }
0xdd: {  	[sflag:s11] =	ssyncadd.s32 $0xFFFFE000  }
0xde: {  	_ =	swait.ge [sflag:s12], $0x2000  }
0xdf: {  	[sflag:s12] =	ssyncset.done $0x0  }
0xe0: {  	[sflag:s12] =	ssyncadd.s32 $0xFFFFE000  }
0xe1: {  	_ =	swait.ge [sflag:s13], $0x2000  }
0xe2: {  	[sflag:s13] =	ssyncset.done $0x0  }
0xe3: {  	[sflag:s13] =	ssyncadd.s32 $0xFFFFE000  }
0xe4: {  	_ =	swait.ge [sflag:s14], $0x2000  }
0xe5: {  	[sflag:s14] =	ssyncset.done $0x0  }
0xe6: {  	[sflag:s14] =	ssyncadd.s32 $0xFFFFE000  }
0xe7: {  	_ =	swait.ge [sflag:s15], $0x2000  }
0xe8: {  	[sflag:s15] =	ssyncset.done $0x0  }
0xe9: {  	s1 =	simm.s32 $0x200;
	s30 =	rddreg [dreg:$0x4];
	[sflag:s15] =	ssyncadd.s32 $0xFFFFE000  }
0xea: {  	[hbm4b:s30+s2] =	stream.linear.scatter [tilespmem:s1], [sflag:$0x9], $0x10000, $0x38;
	[tilespmem:$0x10200] =	vst v63  }
0xeb: {  	_ =	swait.ge [sflag:s7], $0x10000  }
0xec: {  	s17 =	sadd.s32 $0x1, s17;
	s31 =	rddreg [dreg:$0x5]  }
0xed: {  	p0 =	sne.s32 s17, s31  }
.Ltmp1:
0xee: {  	_ = 	snop;
	(pc) =	sbr.rel @p0 .LBB2_1-.Ltmp1, $3  }
0xef: {  	_ =	sdelay $0x1  }
0xf0: {  	[sflag:s7] =	ssyncset.done $0x0  }
0xf1: {  	[sflag:s7] =	ssyncadd.s32 $0xFFFF0000  }
0xf2: {  	_ =	sfence.sel $0x180000  }
0xf3: {  	[bflag:$0x0] =	sbarrier.arrive $0xFFFF  }
0xf4: {  	_ =	strace $0x90000047  }
0xf5: {  	s0 =	stileid.u32;
	[bflag:$0x2] =	sbarrier.arrive $0xFFFF  }
0xf6: {  	p0 =	sne.s32 s0, $0x0;
	s0 =	rddreg [dreg:$0x2]  }
0xf7: {  	s0 =	sadd.s32 @!p0 $0x100000, s0  }
0xf8: {  	[sflag:s0] =	ssyncadd.tile.s32 @!p0 $0x1;
	_ =	shalt  }
.Lfunc_end2:
_tile_overlayer_lowered:
.L_overlay_start_2:
0xf9: {  	(tag) =	ssettag $0x2  }
0xfa: {  	s0 =	rddreg [dreg:$0x0];
	s2 =	stileid.u32  }
0xfb: {  	s1 =	rddreg [dreg:$0x1];
	p0 =	sne.s32 s2, $0x0  }
0xfc: {  	s3 =	rddreg [dreg:$0x2];
	[bflag:$0x3] =	sbarrier.arrive $0xFFFF;
	s2 =	simm.s32 @!p0 $0x1C09  }
0xfd: {  	[timem:s3], [sflag:s2] =	dma.local @!p0 [hbm:s0], s1  }
0xfe: {  	s0 =	simm.s32 @!p0 $0x9  }
0xff: {  	_ =	swait.ge @!p0 [sflag:s0], s1  }
0x100: {  	s1 =	ssub.s32 @!p0 $0x0, s1;
	[sflag:s0] =	ssyncset.done @!p0 $0x0  }
0x101: {  	[sflag:s0] =	ssyncadd.s32 @!p0 s1  }
0x102: {  	[bflag:$0x3] =	sbarrier.arrive $0xFFFF  }
0x103: {  	_ =	shalt  }

</sc_bundles>
